<compile_context>
chip_gen: v7x
topology: tpu7x:2x2x1
jax: 0.10.2.dev20260603
libtpu: 0.0.44.dev20260713+nightly
codegen_flags: <defaults>
</compile_context>

<pallas_src>
import functools

import jax
import jax.numpy as jnp
from jax import lax
from jax.experimental import pallas as pl
from jax.experimental.pallas import tpu as pltpu
from jax.experimental.pallas import tpu_sc as plsc

M_TOTAL = 2097152
B_CLONE = 262144
SIZE = M_TOTAL - B_CLONE

LANES = 128
R_TOTAL = M_TOTAL // LANES
R_HEAD = SIZE // LANES
R_TAIL = B_CLONE // LANES

RBLK = 512
GRID = R_TOTAL // RBLK
N_HEAD = R_HEAD // RBLK


def _cov_math(s0, s1, s2, q0, q1, q2, q3):
    n2 = q0 * q0 + q1 * q1 + q2 * q2 + q3 * q3
    inv = 1.0 / jnp.maximum(jnp.sqrt(n2), 1e-12)
    w, x, y, z = q0 * inv, q1 * inv, q2 * inv, q3 * inv

    e0 = jnp.exp(s0)
    e1 = jnp.exp(s1)
    e2 = jnp.exp(s2)

    m00 = (1.0 - 2.0 * (y * y + z * z)) * e0
    m01 = (2.0 * (x * y - w * z)) * e1
    m02 = (2.0 * (x * z + w * y)) * e2
    m10 = (2.0 * (x * y + w * z)) * e0
    m11 = (1.0 - 2.0 * (x * x + z * z)) * e1
    m12 = (2.0 * (y * z - w * x)) * e2
    m20 = (2.0 * (x * z - w * y)) * e0
    m21 = (2.0 * (y * z + w * x)) * e1
    m22 = (1.0 - 2.0 * (x * x + y * y)) * e2

    c00 = m00 * m00 + m01 * m01 + m02 * m02
    c01 = m00 * m10 + m01 * m11 + m02 * m12
    c02 = m00 * m20 + m01 * m21 + m02 * m22
    c11 = m10 * m10 + m11 * m11 + m12 * m12
    c12 = m10 * m20 + m11 * m21 + m12 * m22
    c22 = m20 * m20 + m21 * m21 + m22 * m22
    return c00, c01, c02, c11, c12, c22


def _store_planes(outr, c00, c01, c02, c11, c12, c22):
    outr[0] = c00
    outr[1] = c01
    outr[2] = c02
    outr[3] = c01
    outr[4] = c11
    outr[5] = c12
    outr[6] = c02
    outr[7] = c12
    outr[8] = c22


def _cov_body(s0r, s1r, s2r, q0r, q1r, q2r, q3r, outr):
    _store_planes(outr, *_cov_math(s0r[...], s1r[...], s2r[...],
                                   q0r[...], q1r[...], q2r[...], q3r[...]))


def _cov_tail_body(s0r, s1r, s2r, q0r, q1r, q2r, q3r, alias_r, outr):
    del alias_r
    _store_planes(outr, *_cov_math(s0r[...], s1r[...], s2r[...],
                                   q0r[...], q1r[...], q2r[...], q3r[...]))


def _sc_gather(tables, idx):
    nt = len(tables)
    info = plsc.get_sparse_core_info()
    nc, ns = info.num_cores, info.num_subcores
    nw = nc * ns
    b_per_w = B_CLONE // nw
    mesh = plsc.VectorSubcoreMesh(core_axis_name="c", subcore_axis_name="s")

    @functools.partial(
        pl.kernel,
        mesh=mesh,
        out_type=[jax.ShapeDtypeStruct((B_CLONE,), jnp.float32)
                  for _ in range(nt)],
        scratch_types=(
            [pltpu.VMEM((b_per_w,), jnp.int32)]
            + [pltpu.VMEM((b_per_w,), jnp.float32) for _ in range(nt)]
            + [pltpu.SemaphoreType.DMA for _ in range(nt)]
        ),
    )
    def gather_k(*refs):
        tbls = refs[:nt]
        idx_hbm = refs[nt]
        outs = refs[nt + 1:2 * nt + 1]
        idx_v = refs[2 * nt + 1]
        stages = refs[2 * nt + 2:3 * nt + 2]
        sems = refs[3 * nt + 2:]
        wid = lax.axis_index("s") * nc + lax.axis_index("c")
        base = wid * b_per_w

        pltpu.sync_copy(idx_hbm.at[pl.ds(base, b_per_w)], idx_v)
        copies = [
            pltpu.async_copy(tbls[t].at[idx_v], stages[t], sems[t])
            for t in range(nt)
        ]
        for t in range(nt):
            copies[t].wait()
            pltpu.sync_copy(stages[t], outs[t].at[pl.ds(base, b_per_w)])

    return gather_k(*tables, idx)


def kernel(scale, rotation, idx):
    scomps = [scale[:, c] for c in range(3)]
    rcomps = [rotation[:, c] for c in range(4)]
    comps = scomps + rcomps
    gathered_s = _sc_gather([c.reshape(M_TOTAL) for c in scomps], idx)
    gathered_r = _sc_gather([c.reshape(M_TOTAL) for c in rcomps], idx)
    gathered = list(gathered_s) + list(gathered_r)

    head_in = [c.reshape(R_TOTAL, LANES) for c in comps]
    tail_in = [g.reshape(R_TAIL, LANES) for g in gathered]

    in_spec = pl.BlockSpec((RBLK, LANES), lambda i: (i, 0))

    planes_head = pl.pallas_call(
        _cov_body,
        grid=(N_HEAD,),
        in_specs=[in_spec] * 7,
        out_specs=pl.BlockSpec((9, RBLK, LANES), lambda i: (0, i, 0)),
        out_shape=jax.ShapeDtypeStruct((9, R_TOTAL, LANES), jnp.float32),
    )(*head_in)

    planes = pl.pallas_call(
        _cov_tail_body,
        grid=(GRID - N_HEAD,),
        in_specs=[in_spec] * 7 + [pl.BlockSpec(memory_space=pl.ANY)],
        out_specs=pl.BlockSpec((9, RBLK, LANES), lambda i: (0, N_HEAD + i, 0)),
        out_shape=jax.ShapeDtypeStruct((9, R_TOTAL, LANES), jnp.float32),
        input_output_aliases={7: 0},
    )(*tail_in, planes_head)

    return planes.reshape(3, 3, M_TOTAL).transpose(2, 0, 1)

# --- scband reference (transcript-rebuilt; emitter-appended) ---
"""Pipeline reference for scband-gaussian-model-59493886984835 (READ-ONLY COPY).

The authoritative reference and input builder live on the scoring server;
editing this copy changes nothing except your own understanding.
"""

import jax, jax.numpy as jnp
import numpy as np

M = 2097152
B = 262144
SIZE = M - B

def quat_to_rotmat(q):
    w, x, y, z = q[:, 0], q[:, 1], q[:, 2], q[:, 3]
    r00 = 1.0 - 2.0 * (y * y + z * z)
    r01 = 2.0 * (x * y - w * z)
    r02 = 2.0 * (x * z + w * y)
    r10 = 2.0 * (x * y + w * z)
    r11 = 1.0 - 2.0 * (x * x + z * z)
    r12 = 2.0 * (y * z - w * x)
    r20 = 2.0 * (x * z - w * y)
    r21 = 2.0 * (y * z + w * x)
    r22 = 1.0 - 2.0 * (x * x + y * y)
    row0 = jnp.stack([r00, r01, r02], axis=-1)
    row1 = jnp.stack([r10, r11, r12], axis=-1)
    row2 = jnp.stack([r20, r21, r22], axis=-1)
    return jnp.stack([row0, row1, row2], axis=1)

def setup_inputs(seed: int = 0) -> dict:
    key = jax.random.key(seed)
    k1, k2, k3 = jax.random.split(key, 3)
    scale = jax.random.normal(k1, (M, 3), dtype=jnp.float32)
    rotation = jax.random.normal(k2, (M, 4), dtype=jnp.float32)
    idx = jax.random.randint(k3, (B,), 0, SIZE, dtype=jnp.int32)
    return {"scale": scale, "rotation": rotation, "idx": idx}

def reference(scale, rotation, idx):
    # clone(): scatter-copy selected gaussian params into tail slots [SIZE, SIZE+B)
    dst = jnp.arange(B, dtype=idx.dtype) + SIZE
    scale = scale.at[dst].set(jnp.take(scale, idx, axis=0))
    rotation = rotation.at[dst].set(jnp.take(rotation, idx, axis=0))
    # get_covariance(): activations + R @ S @ (R @ S)^T per gaussian
    n = jnp.linalg.norm(rotation, axis=-1, keepdims=True)
    q = rotation / jnp.maximum(n, 1e-12)
    s = jnp.exp(scale)
    R = quat_to_rotmat(q)
    Mmat = R * s[:, None, :]  # R @ diag(s)
    cov = jnp.einsum('nij,nkj->nik', Mmat, Mmat)
    return cov

if __name__ == "__main__":
    import jax
    _d = setup_inputs()
    print(jax.jit(kernel)(*tuple(_d.values())))

</pallas_src>

<mosaic_0001>
#map = affine_map<(d0, d1) -> (0)>
module attributes {stable_mosaic.version = 14 : i64} {
  func.func @gather_k(%arg0: i32, %arg1: i32, %arg2: memref<2097152xf32, #tpu.memory_space<hbm>>, %arg3: memref<2097152xf32, #tpu.memory_space<hbm>>, %arg4: memref<2097152xf32, #tpu.memory_space<hbm>>, %arg5: memref<262144xi32, #tpu.memory_space<hbm>>, %arg6: memref<262144xf32, #tpu.memory_space<hbm>>, %arg7: memref<262144xf32, #tpu.memory_space<hbm>>, %arg8: memref<262144xf32, #tpu.memory_space<hbm>>, %arg9: memref<8192xi32, #tpu.memory_space<vmem>>, %arg10: memref<8192xf32, #tpu.memory_space<vmem>>, %arg11: memref<8192xf32, #tpu.memory_space<vmem>>, %arg12: memref<8192xf32, #tpu.memory_space<vmem>>, %arg13: memref<!tpu.dma_semaphore, #tpu.memory_space<semaphore_mem>>, %arg14: memref<!tpu.dma_semaphore, #tpu.memory_space<semaphore_mem>>, %arg15: memref<!tpu.dma_semaphore, #tpu.memory_space<semaphore_mem>>) attributes {dimension_semantics = [#tpu.dimension_semantics<core_parallel>, #tpu.dimension_semantics<subcore_parallel>], iteration_bounds = array<i64: 2, 16>, scalar_prefetch = 0 : i64, scratch_operands = 7 : i64, tpu.core_type = #tpu.core_type<sc_vector_subcore>, window_params = [{transform_indices = #map}, {transform_indices = #map}, {transform_indices = #map}, {transform_indices = #map}, {transform_indices = #map}, {transform_indices = #map}, {transform_indices = #map}]} {
    %mul3A = arith.constant 2 : i32
    %mul3A_0 = arith.muli %arg1, %mul3A : i32
    %add3A = arith.addi %mul3A_0, %arg0 : i32
    %mul3A_1 = arith.constant 8192 : i32
    %mul3A_2 = arith.muli %add3A, %mul3A_1 : i32
    "tpu.region"() ({
      %run_scoped3A = tpu.sem_alloc : memref<!tpu.dma_semaphore, #tpu.memory_space<semaphore_mem>>
      %dma_start3A_13 = tpu.memref_slice %arg5[%mul3A_2] : memref<262144xi32, #tpu.memory_space<hbm>> -> memref<8192xi32, #tpu.memory_space<hbm>>
      %dma_start3A_14 = tpu.memref_slice %arg5[%mul3A_2] : memref<262144xi32, #tpu.memory_space<hbm>> -> memref<8192xi32, #tpu.memory_space<hbm>>
      tpu.enqueue_dma source(%dma_start3A_14 : memref<8192xi32, #tpu.memory_space<hbm>>) target(%arg9 : memref<8192xi32, #tpu.memory_space<vmem>>) target_semaphore(%run_scoped3A : memref<!tpu.dma_semaphore, #tpu.memory_space<semaphore_mem>>)
      %dma_wait3A_15 = tpu.memref_slice %arg5[%mul3A_2] : memref<262144xi32, #tpu.memory_space<hbm>> -> memref<8192xi32, #tpu.memory_space<hbm>>
      %dma_wait3A_16 = tpu.memref_slice %arg5[%mul3A_2] : memref<262144xi32, #tpu.memory_space<hbm>> -> memref<8192xi32, #tpu.memory_space<hbm>>
      tpu.wait_dma2 semaphore(%run_scoped3A : memref<!tpu.dma_semaphore, #tpu.memory_space<semaphore_mem>>) src(%dma_wait3A_16 : memref<8192xi32, #tpu.memory_space<hbm>>) dst(%arg9 : memref<8192xi32, #tpu.memory_space<vmem>>)
      tpu.yield
    }) : () -> ()
    %dma_start3A = arith.constant 0 : i32
    %dma_start3A_3 = tpu.memref_slice %arg2[%dma_start3A] : memref<2097152xf32, #tpu.memory_space<hbm>> -> memref<2097152xf32, #tpu.memory_space<hbm>>
    tpu.enqueue_indirect_dma source(%dma_start3A_3 : memref<2097152xf32, #tpu.memory_space<hbm>>) target(%arg10 : memref<8192xf32, #tpu.memory_space<vmem>>) offsets(%arg9 : memref<8192xi32, #tpu.memory_space<vmem>>) semaphore(%arg13 : memref<!tpu.dma_semaphore, #tpu.memory_space<semaphore_mem>>)
    %dma_start3A_4 = arith.constant 0 : i32
    %dma_start3A_5 = tpu.memref_slice %arg3[%dma_start3A_4] : memref<2097152xf32, #tpu.memory_space<hbm>> -> memref<2097152xf32, #tpu.memory_space<hbm>>
    tpu.enqueue_indirect_dma source(%dma_start3A_5 : memref<2097152xf32, #tpu.memory_space<hbm>>) target(%arg11 : memref<8192xf32, #tpu.memory_space<vmem>>) offsets(%arg9 : memref<8192xi32, #tpu.memory_space<vmem>>) semaphore(%arg14 : memref<!tpu.dma_semaphore, #tpu.memory_space<semaphore_mem>>)
    %dma_start3A_6 = arith.constant 0 : i32
    %dma_start3A_7 = tpu.memref_slice %arg4[%dma_start3A_6] : memref<2097152xf32, #tpu.memory_space<hbm>> -> memref<2097152xf32, #tpu.memory_space<hbm>>
    tpu.enqueue_indirect_dma source(%dma_start3A_7 : memref<2097152xf32, #tpu.memory_space<hbm>>) target(%arg12 : memref<8192xf32, #tpu.memory_space<vmem>>) offsets(%arg9 : memref<8192xi32, #tpu.memory_space<vmem>>) semaphore(%arg15 : memref<!tpu.dma_semaphore, #tpu.memory_space<semaphore_mem>>)
    %dma_wait3A = arith.constant 0 : i32
    %dma_wait3A_8 = tpu.memref_slice %arg2[%dma_wait3A] : memref<2097152xf32, #tpu.memory_space<hbm>> -> memref<2097152xf32, #tpu.memory_space<hbm>>
    tpu.wait_indirect_dma semaphore(%arg13 : memref<!tpu.dma_semaphore, #tpu.memory_space<semaphore_mem>>) src(%dma_wait3A_8 : memref<2097152xf32, #tpu.memory_space<hbm>>) dst(%arg10 : memref<8192xf32, #tpu.memory_space<vmem>>)
    "tpu.region"() ({
      %run_scoped3A = tpu.sem_alloc : memref<!tpu.dma_semaphore, #tpu.memory_space<semaphore_mem>>
      %dma_start3A_13 = tpu.memref_slice %arg6[%mul3A_2] : memref<262144xf32, #tpu.memory_space<hbm>> -> memref<8192xf32, #tpu.memory_space<hbm>>
      %dma_start3A_14 = tpu.memref_slice %arg6[%mul3A_2] : memref<262144xf32, #tpu.memory_space<hbm>> -> memref<8192xf32, #tpu.memory_space<hbm>>
      tpu.enqueue_dma source(%arg10 : memref<8192xf32, #tpu.memory_space<vmem>>) target(%dma_start3A_14 : memref<8192xf32, #tpu.memory_space<hbm>>) target_semaphore(%run_scoped3A : memref<!tpu.dma_semaphore, #tpu.memory_space<semaphore_mem>>)
      %dma_wait3A_15 = tpu.memref_slice %arg6[%mul3A_2] : memref<262144xf32, #tpu.memory_space<hbm>> -> memref<8192xf32, #tpu.memory_space<hbm>>
      %dma_wait3A_16 = tpu.memref_slice %arg6[%mul3A_2] : memref<262144xf32, #tpu.memory_space<hbm>> -> memref<8192xf32, #tpu.memory_space<hbm>>
      tpu.wait_dma2 semaphore(%run_scoped3A : memref<!tpu.dma_semaphore, #tpu.memory_space<semaphore_mem>>) src(%arg10 : memref<8192xf32, #tpu.memory_space<vmem>>) dst(%dma_wait3A_16 : memref<8192xf32, #tpu.memory_space<hbm>>)
      tpu.yield
    }) : () -> ()
    %dma_wait3A_9 = arith.constant 0 : i32
    %dma_wait3A_10 = tpu.memref_slice %arg3[%dma_wait3A_9] : memref<2097152xf32, #tpu.memory_space<hbm>> -> memref<2097152xf32, #tpu.memory_space<hbm>>
    tpu.wait_indirect_dma semaphore(%arg14 : memref<!tpu.dma_semaphore, #tpu.memory_space<semaphore_mem>>) src(%dma_wait3A_10 : memref<2097152xf32, #tpu.memory_space<hbm>>) dst(%arg11 : memref<8192xf32, #tpu.memory_space<vmem>>)
    "tpu.region"() ({
      %run_scoped3A = tpu.sem_alloc : memref<!tpu.dma_semaphore, #tpu.memory_space<semaphore_mem>>
      %dma_start3A_13 = tpu.memref_slice %arg7[%mul3A_2] : memref<262144xf32, #tpu.memory_space<hbm>> -> memref<8192xf32, #tpu.memory_space<hbm>>
      %dma_start3A_14 = tpu.memref_slice %arg7[%mul3A_2] : memref<262144xf32, #tpu.memory_space<hbm>> -> memref<8192xf32, #tpu.memory_space<hbm>>
      tpu.enqueue_dma source(%arg11 : memref<8192xf32, #tpu.memory_space<vmem>>) target(%dma_start3A_14 : memref<8192xf32, #tpu.memory_space<hbm>>) target_semaphore(%run_scoped3A : memref<!tpu.dma_semaphore, #tpu.memory_space<semaphore_mem>>)
      %dma_wait3A_15 = tpu.memref_slice %arg7[%mul3A_2] : memref<262144xf32, #tpu.memory_space<hbm>> -> memref<8192xf32, #tpu.memory_space<hbm>>
      %dma_wait3A_16 = tpu.memref_slice %arg7[%mul3A_2] : memref<262144xf32, #tpu.memory_space<hbm>> -> memref<8192xf32, #tpu.memory_space<hbm>>
      tpu.wait_dma2 semaphore(%run_scoped3A : memref<!tpu.dma_semaphore, #tpu.memory_space<semaphore_mem>>) src(%arg11 : memref<8192xf32, #tpu.memory_space<vmem>>) dst(%dma_wait3A_16 : memref<8192xf32, #tpu.memory_space<hbm>>)
      tpu.yield
    }) : () -> ()
    %dma_wait3A_11 = arith.constant 0 : i32
    %dma_wait3A_12 = tpu.memref_slice %arg4[%dma_wait3A_11] : memref<2097152xf32, #tpu.memory_space<hbm>> -> memref<2097152xf32, #tpu.memory_space<hbm>>
    tpu.wait_indirect_dma semaphore(%arg15 : memref<!tpu.dma_semaphore, #tpu.memory_space<semaphore_mem>>) src(%dma_wait3A_12 : memref<2097152xf32, #tpu.memory_space<hbm>>) dst(%arg12 : memref<8192xf32, #tpu.memory_space<vmem>>)
    "tpu.region"() ({
      %run_scoped3A = tpu.sem_alloc : memref<!tpu.dma_semaphore, #tpu.memory_space<semaphore_mem>>
      %dma_start3A_13 = tpu.memref_slice %arg8[%mul3A_2] : memref<262144xf32, #tpu.memory_space<hbm>> -> memref<8192xf32, #tpu.memory_space<hbm>>
      %dma_start3A_14 = tpu.memref_slice %arg8[%mul3A_2] : memref<262144xf32, #tpu.memory_space<hbm>> -> memref<8192xf32, #tpu.memory_space<hbm>>
      tpu.enqueue_dma source(%arg12 : memref<8192xf32, #tpu.memory_space<vmem>>) target(%dma_start3A_14 : memref<8192xf32, #tpu.memory_space<hbm>>) target_semaphore(%run_scoped3A : memref<!tpu.dma_semaphore, #tpu.memory_space<semaphore_mem>>)
      %dma_wait3A_15 = tpu.memref_slice %arg8[%mul3A_2] : memref<262144xf32, #tpu.memory_space<hbm>> -> memref<8192xf32, #tpu.memory_space<hbm>>
      %dma_wait3A_16 = tpu.memref_slice %arg8[%mul3A_2] : memref<262144xf32, #tpu.memory_space<hbm>> -> memref<8192xf32, #tpu.memory_space<hbm>>
      tpu.wait_dma2 semaphore(%run_scoped3A : memref<!tpu.dma_semaphore, #tpu.memory_space<semaphore_mem>>) src(%arg12 : memref<8192xf32, #tpu.memory_space<vmem>>) dst(%dma_wait3A_16 : memref<8192xf32, #tpu.memory_space<hbm>>)
      tpu.yield
    }) : () -> ()
    return
  }
}

#map = affine_map<(d0, d1) -> (0)>
module attributes {stable_mosaic.version = 14 : i64} {
  func.func @gather_k(%arg0: i32, %arg1: i32, %arg2: memref<2097152xf32, #tpu.memory_space<hbm>>, %arg3: memref<2097152xf32, #tpu.memory_space<hbm>>, %arg4: memref<2097152xf32, #tpu.memory_space<hbm>>, %arg5: memref<2097152xf32, #tpu.memory_space<hbm>>, %arg6: memref<262144xi32, #tpu.memory_space<hbm>>, %arg7: memref<262144xf32, #tpu.memory_space<hbm>>, %arg8: memref<262144xf32, #tpu.memory_space<hbm>>, %arg9: memref<262144xf32, #tpu.memory_space<hbm>>, %arg10: memref<262144xf32, #tpu.memory_space<hbm>>, %arg11: memref<8192xi32, #tpu.memory_space<vmem>>, %arg12: memref<8192xf32, #tpu.memory_space<vmem>>, %arg13: memref<8192xf32, #tpu.memory_space<vmem>>, %arg14: memref<8192xf32, #tpu.memory_space<vmem>>, %arg15: memref<8192xf32, #tpu.memory_space<vmem>>, %arg16: memref<!tpu.dma_semaphore, #tpu.memory_space<semaphore_mem>>, %arg17: memref<!tpu.dma_semaphore, #tpu.memory_space<semaphore_mem>>, %arg18: memref<!tpu.dma_semaphore, #tpu.memory_space<semaphore_mem>>, %arg19: memref<!tpu.dma_semaphore, #tpu.memory_space<semaphore_mem>>) attributes {dimension_semantics = [#tpu.dimension_semantics<core_parallel>, #tpu.dimension_semantics<subcore_parallel>], iteration_bounds = array<i64: 2, 16>, scalar_prefetch = 0 : i64, scratch_operands = 9 : i64, tpu.core_type = #tpu.core_type<sc_vector_subcore>, window_params = [{transform_indices = #map}, {transform_indices = #map}, {transform_indices = #map}, {transform_indices = #map}, {transform_indices = #map}, {transform_indices = #map}, {transform_indices = #map}, {transform_indices = #map}, {transform_indices = #map}]} {
    %mul3A = arith.constant 2 : i32
    %mul3A_0 = arith.muli %arg1, %mul3A : i32
    %add3A = arith.addi %mul3A_0, %arg0 : i32
    %mul3A_1 = arith.constant 8192 : i32
    %mul3A_2 = arith.muli %add3A, %mul3A_1 : i32
    "tpu.region"() ({
      %run_scoped3A = tpu.sem_alloc : memref<!tpu.dma_semaphore, #tpu.memory_space<semaphore_mem>>
      %dma_start3A_17 = tpu.memref_slice %arg6[%mul3A_2] : memref<262144xi32, #tpu.memory_space<hbm>> -> memref<8192xi32, #tpu.memory_space<hbm>>
      %dma_start3A_18 = tpu.memref_slice %arg6[%mul3A_2] : memref<262144xi32, #tpu.memory_space<hbm>> -> memref<8192xi32, #tpu.memory_space<hbm>>
      tpu.enqueue_dma source(%dma_start3A_18 : memref<8192xi32, #tpu.memory_space<hbm>>) target(%arg11 : memref<8192xi32, #tpu.memory_space<vmem>>) target_semaphore(%run_scoped3A : memref<!tpu.dma_semaphore, #tpu.memory_space<semaphore_mem>>)
      %dma_wait3A_19 = tpu.memref_slice %arg6[%mul3A_2] : memref<262144xi32, #tpu.memory_space<hbm>> -> memref<8192xi32, #tpu.memory_space<hbm>>
      %dma_wait3A_20 = tpu.memref_slice %arg6[%mul3A_2] : memref<262144xi32, #tpu.memory_space<hbm>> -> memref<8192xi32, #tpu.memory_space<hbm>>
      tpu.wait_dma2 semaphore(%run_scoped3A : memref<!tpu.dma_semaphore, #tpu.memory_space<semaphore_mem>>) src(%dma_wait3A_20 : memref<8192xi32, #tpu.memory_space<hbm>>) dst(%arg11 : memref<8192xi32, #tpu.memory_space<vmem>>)
      tpu.yield
    }) : () -> ()
    %dma_start3A = arith.constant 0 : i32
    %dma_start3A_3 = tpu.memref_slice %arg2[%dma_start3A] : memref<2097152xf32, #tpu.memory_space<hbm>> -> memref<2097152xf32, #tpu.memory_space<hbm>>
    tpu.enqueue_indirect_dma source(%dma_start3A_3 : memref<2097152xf32, #tpu.memory_space<hbm>>) target(%arg12 : memref<8192xf32, #tpu.memory_space<vmem>>) offsets(%arg11 : memref<8192xi32, #tpu.memory_space<vmem>>) semaphore(%arg16 : memref<!tpu.dma_semaphore, #tpu.memory_space<semaphore_mem>>)
    %dma_start3A_4 = arith.constant 0 : i32
    %dma_start3A_5 = tpu.memref_slice %arg3[%dma_start3A_4] : memref<2097152xf32, #tpu.memory_space<hbm>> -> memref<2097152xf32, #tpu.memory_space<hbm>>
    tpu.enqueue_indirect_dma source(%dma_start3A_5 : memref<2097152xf32, #tpu.memory_space<hbm>>) target(%arg13 : memref<8192xf32, #tpu.memory_space<vmem>>) offsets(%arg11 : memref<8192xi32, #tpu.memory_space<vmem>>) semaphore(%arg17 : memref<!tpu.dma_semaphore, #tpu.memory_space<semaphore_mem>>)
    %dma_start3A_6 = arith.constant 0 : i32
    %dma_start3A_7 = tpu.memref_slice %arg4[%dma_start3A_6] : memref<2097152xf32, #tpu.memory_space<hbm>> -> memref<2097152xf32, #tpu.memory_space<hbm>>
    tpu.enqueue_indirect_dma source(%dma_start3A_7 : memref<2097152xf32, #tpu.memory_space<hbm>>) target(%arg14 : memref<8192xf32, #tpu.memory_space<vmem>>) offsets(%arg11 : memref<8192xi32, #tpu.memory_space<vmem>>) semaphore(%arg18 : memref<!tpu.dma_semaphore, #tpu.memory_space<semaphore_mem>>)
    %dma_start3A_8 = arith.constant 0 : i32
    %dma_start3A_9 = tpu.memref_slice %arg5[%dma_start3A_8] : memref<2097152xf32, #tpu.memory_space<hbm>> -> memref<2097152xf32, #tpu.memory_space<hbm>>
    tpu.enqueue_indirect_dma source(%dma_start3A_9 : memref<2097152xf32, #tpu.memory_space<hbm>>) target(%arg15 : memref<8192xf32, #tpu.memory_space<vmem>>) offsets(%arg11 : memref<8192xi32, #tpu.memory_space<vmem>>) semaphore(%arg19 : memref<!tpu.dma_semaphore, #tpu.memory_space<semaphore_mem>>)
    %dma_wait3A = arith.constant 0 : i32
    %dma_wait3A_10 = tpu.memref_slice %arg2[%dma_wait3A] : memref<2097152xf32, #tpu.memory_space<hbm>> -> memref<2097152xf32, #tpu.memory_space<hbm>>
    tpu.wait_indirect_dma semaphore(%arg16 : memref<!tpu.dma_semaphore, #tpu.memory_space<semaphore_mem>>) src(%dma_wait3A_10 : memref<2097152xf32, #tpu.memory_space<hbm>>) dst(%arg12 : memref<8192xf32, #tpu.memory_space<vmem>>)
    "tpu.region"() ({
      %run_scoped3A = tpu.sem_alloc : memref<!tpu.dma_semaphore, #tpu.memory_space<semaphore_mem>>
      %dma_start3A_17 = tpu.memref_slice %arg7[%mul3A_2] : memref<262144xf32, #tpu.memory_space<hbm>> -> memref<8192xf32, #tpu.memory_space<hbm>>
      %dma_start3A_18 = tpu.memref_slice %arg7[%mul3A_2] : memref<262144xf32, #tpu.memory_space<hbm>> -> memref<8192xf32, #tpu.memory_space<hbm>>
      tpu.enqueue_dma source(%arg12 : memref<8192xf32, #tpu.memory_space<vmem>>) target(%dma_start3A_18 : memref<8192xf32, #tpu.memory_space<hbm>>) target_semaphore(%run_scoped3A : memref<!tpu.dma_semaphore, #tpu.memory_space<semaphore_mem>>)
      %dma_wait3A_19 = tpu.memref_slice %arg7[%mul3A_2] : memref<262144xf32, #tpu.memory_space<hbm>> -> memref<8192xf32, #tpu.memory_space<hbm>>
      %dma_wait3A_20 = tpu.memref_slice %arg7[%mul3A_2] : memref<262144xf32, #tpu.memory_space<hbm>> -> memref<8192xf32, #tpu.memory_space<hbm>>
      tpu.wait_dma2 semaphore(%run_scoped3A : memref<!tpu.dma_semaphore, #tpu.memory_space<semaphore_mem>>) src(%arg12 : memref<8192xf32, #tpu.memory_space<vmem>>) dst(%dma_wait3A_20 : memref<8192xf32, #tpu.memory_space<hbm>>)
      tpu.yield
    }) : () -> ()
    %dma_wait3A_11 = arith.constant 0 : i32
    %dma_wait3A_12 = tpu.memref_slice %arg3[%dma_wait3A_11] : memref<2097152xf32, #tpu.memory_space<hbm>> -> memref<2097152xf32, #tpu.memory_space<hbm>>
    tpu.wait_indirect_dma semaphore(%arg17 : memref<!tpu.dma_semaphore, #tpu.memory_space<semaphore_mem>>) src(%dma_wait3A_12 : memref<2097152xf32, #tpu.memory_space<hbm>>) dst(%arg13 : memref<8192xf32, #tpu.memory_space<vmem>>)
    "tpu.region"() ({
      %run_scoped3A = tpu.sem_alloc : memref<!tpu.dma_semaphore, #tpu.memory_space<semaphore_mem>>
      %dma_start3A_17 = tpu.memref_slice %arg8[%mul3A_2] : memref<262144xf32, #tpu.memory_space<hbm>> -> memref<8192xf32, #tpu.memory_space<hbm>>
      %dma_start3A_18 = tpu.memref_slice %arg8[%mul3A_2] : memref<262144xf32, #tpu.memory_space<hbm>> -> memref<8192xf32, #tpu.memory_space<hbm>>
      tpu.enqueue_dma source(%arg13 : memref<8192xf32, #tpu.memory_space<vmem>>) target(%dma_start3A_18 : memref<8192xf32, #tpu.memory_space<hbm>>) target_semaphore(%run_scoped3A : memref<!tpu.dma_semaphore, #tpu.memory_space<semaphore_mem>>)
      %dma_wait3A_19 = tpu.memref_slice %arg8[%mul3A_2] : memref<262144xf32, #tpu.memory_space<hbm>> -> memref<8192xf32, #tpu.memory_space<hbm>>
      %dma_wait3A_20 = tpu.memref_slice %arg8[%mul3A_2] : memref<262144xf32, #tpu.memory_space<hbm>> -> memref<8192xf32, #tpu.memory_space<hbm>>
      tpu.wait_dma2 semaphore(%run_scoped3A : memref<!tpu.dma_semaphore, #tpu.memory_space<semaphore_mem>>) src(%arg13 : memref<8192xf32, #tpu.memory_space<vmem>>) dst(%dma_wait3A_20 : memref<8192xf32, #tpu.memory_space<hbm>>)
      tpu.yield
    }) : () -> ()
    %dma_wait3A_13 = arith.constant 0 : i32
    %dma_wait3A_14 = tpu.memref_slice %arg4[%dma_wait3A_13] : memref<2097152xf32, #tpu.memory_space<hbm>> -> memref<2097152xf32, #tpu.memory_space<hbm>>
    tpu.wait_indirect_dma semaphore(%arg18 : memref<!tpu.dma_semaphore, #tpu.memory_space<semaphore_mem>>) src(%dma_wait3A_14 : memref<2097152xf32, #tpu.memory_space<hbm>>) dst(%arg14 : memref<8192xf32, #tpu.memory_space<vmem>>)
    "tpu.region"() ({
      %run_scoped3A = tpu.sem_alloc : memref<!tpu.dma_semaphore, #tpu.memory_space<semaphore_mem>>
      %dma_start3A_17 = tpu.memref_slice %arg9[%mul3A_2] : memref<262144xf32, #tpu.memory_space<hbm>> -> memref<8192xf32, #tpu.memory_space<hbm>>
      %dma_start3A_18 = tpu.memref_slice %arg9[%mul3A_2] : memref<262144xf32, #tpu.memory_space<hbm>> -> memref<8192xf32, #tpu.memory_space<hbm>>
      tpu.enqueue_dma source(%arg14 : memref<8192xf32, #tpu.memory_space<vmem>>) target(%dma_start3A_18 : memref<8192xf32, #tpu.memory_space<hbm>>) target_semaphore(%run_scoped3A : memref<!tpu.dma_semaphore, #tpu.memory_space<semaphore_mem>>)
      %dma_wait3A_19 = tpu.memref_slice %arg9[%mul3A_2] : memref<262144xf32, #tpu.memory_space<hbm>> -> memref<8192xf32, #tpu.memory_space<hbm>>
      %dma_wait3A_20 = tpu.memref_slice %arg9[%mul3A_2] : memref<262144xf32, #tpu.memory_space<hbm>> -> memref<8192xf32, #tpu.memory_space<hbm>>
      tpu.wait_dma2 semaphore(%run_scoped3A : memref<!tpu.dma_semaphore, #tpu.memory_space<semaphore_mem>>) src(%arg14 : memref<8192xf32, #tpu.memory_space<vmem>>) dst(%dma_wait3A_20 : memref<8192xf32, #tpu.memory_space<hbm>>)
      tpu.yield
    }) : () -> ()
    %dma_wait3A_15 = arith.constant 0 : i32
    %dma_wait3A_16 = tpu.memref_slice %arg5[%dma_wait3A_15] : memref<2097152xf32, #tpu.memory_space<hbm>> -> memref<2097152xf32, #tpu.memory_space<hbm>>
    tpu.wait_indirect_dma semaphore(%arg19 : memref<!tpu.dma_semaphore, #tpu.memory_space<semaphore_mem>>) src(%dma_wait3A_16 : memref<2097152xf32, #tpu.memory_space<hbm>>) dst(%arg15 : memref<8192xf32, #tpu.memory_space<vmem>>)
    "tpu.region"() ({
      %run_scoped3A = tpu.sem_alloc : memref<!tpu.dma_semaphore, #tpu.memory_space<semaphore_mem>>
      %dma_start3A_17 = tpu.memref_slice %arg10[%mul3A_2] : memref<262144xf32, #tpu.memory_space<hbm>> -> memref<8192xf32, #tpu.memory_space<hbm>>
      %dma_start3A_18 = tpu.memref_slice %arg10[%mul3A_2] : memref<262144xf32, #tpu.memory_space<hbm>> -> memref<8192xf32, #tpu.memory_space<hbm>>
      tpu.enqueue_dma source(%arg15 : memref<8192xf32, #tpu.memory_space<vmem>>) target(%dma_start3A_18 : memref<8192xf32, #tpu.memory_space<hbm>>) target_semaphore(%run_scoped3A : memref<!tpu.dma_semaphore, #tpu.memory_space<semaphore_mem>>)
      %dma_wait3A_19 = tpu.memref_slice %arg10[%mul3A_2] : memref<262144xf32, #tpu.memory_space<hbm>> -> memref<8192xf32, #tpu.memory_space<hbm>>
      %dma_wait3A_20 = tpu.memref_slice %arg10[%mul3A_2] : memref<262144xf32, #tpu.memory_space<hbm>> -> memref<8192xf32, #tpu.memory_space<hbm>>
      tpu.wait_dma2 semaphore(%run_scoped3A : memref<!tpu.dma_semaphore, #tpu.memory_space<semaphore_mem>>) src(%arg15 : memref<8192xf32, #tpu.memory_space<vmem>>) dst(%dma_wait3A_20 : memref<8192xf32, #tpu.memory_space<hbm>>)
      tpu.yield
    }) : () -> ()
    return
  }
}

module attributes {stable_mosaic.version = 14 : i64} {
  func.func @_cov_body(%arg0: i32, %arg1: memref<512x128xf32, #tpu.memory_space<vmem>>, %arg2: memref<512x128xf32, #tpu.memory_space<vmem>>, %arg3: memref<512x128xf32, #tpu.memory_space<vmem>>, %arg4: memref<512x128xf32, #tpu.memory_space<vmem>>, %arg5: memref<512x128xf32, #tpu.memory_space<vmem>>, %arg6: memref<512x128xf32, #tpu.memory_space<vmem>>, %arg7: memref<512x128xf32, #tpu.memory_space<vmem>>, %arg8: memref<9x512x128xf32, #tpu.memory_space<vmem>>) attributes {dimension_semantics = [#tpu.dimension_semantics<arbitrary>], iteration_bounds = array<i64: 28>, scalar_prefetch = 0 : i64, scratch_operands = 0 : i64, tpu.core_type = #tpu.core_type<tc>, window_params = [{transform_indices = @transform_0, window_bounds = array<i64: 512, 128>}, {transform_indices = @transform_1, window_bounds = array<i64: 512, 128>}, {transform_indices = @transform_2, window_bounds = array<i64: 512, 128>}, {transform_indices = @transform_3, window_bounds = array<i64: 512, 128>}, {transform_indices = @transform_4, window_bounds = array<i64: 512, 128>}, {transform_indices = @transform_5, window_bounds = array<i64: 512, 128>}, {transform_indices = @transform_6, window_bounds = array<i64: 512, 128>}, {transform_indices = @transform_7, window_bounds = array<i64: 9, 512, 128>}]} {
    %get3A = arith.constant 0 : index
    %get3A_0 = arith.constant 0 : index
    %get3A_1 = vector.load %arg1[%get3A, %get3A_0] : memref<512x128xf32, #tpu.memory_space<vmem>>, vector<512x128xf32>
    %get3A_2 = arith.constant 0 : index
    %get3A_3 = arith.constant 0 : index
    %get3A_4 = vector.load %arg2[%get3A_2, %get3A_3] : memref<512x128xf32, #tpu.memory_space<vmem>>, vector<512x128xf32>
    %get3A_5 = arith.constant 0 : index
    %get3A_6 = arith.constant 0 : index
    %get3A_7 = vector.load %arg3[%get3A_5, %get3A_6] : memref<512x128xf32, #tpu.memory_space<vmem>>, vector<512x128xf32>
    %get3A_8 = arith.constant 0 : index
    %get3A_9 = arith.constant 0 : index
    %get3A_10 = vector.load %arg4[%get3A_8, %get3A_9] : memref<512x128xf32, #tpu.memory_space<vmem>>, vector<512x128xf32>
    %get3A_11 = arith.constant 0 : index
    %get3A_12 = arith.constant 0 : index
    %get3A_13 = vector.load %arg5[%get3A_11, %get3A_12] : memref<512x128xf32, #tpu.memory_space<vmem>>, vector<512x128xf32>
    %get3A_14 = arith.constant 0 : index
    %get3A_15 = arith.constant 0 : index
    %get3A_16 = vector.load %arg6[%get3A_14, %get3A_15] : memref<512x128xf32, #tpu.memory_space<vmem>>, vector<512x128xf32>
    %get3A_17 = arith.constant 0 : index
    %get3A_18 = arith.constant 0 : index
    %get3A_19 = vector.load %arg7[%get3A_17, %get3A_18] : memref<512x128xf32, #tpu.memory_space<vmem>>, vector<512x128xf32>
    %mul3A = arith.mulf %get3A_10, %get3A_10 : vector<512x128xf32>
    %mul3A_20 = arith.mulf %get3A_13, %get3A_13 : vector<512x128xf32>
    %add3A = arith.addf %mul3A, %mul3A_20 : vector<512x128xf32>
    %mul3A_21 = arith.mulf %get3A_16, %get3A_16 : vector<512x128xf32>
    %add3A_22 = arith.addf %add3A, %mul3A_21 : vector<512x128xf32>
    %mul3A_23 = arith.mulf %get3A_19, %get3A_19 : vector<512x128xf32>
    %add3A_24 = arith.addf %add3A_22, %mul3A_23 : vector<512x128xf32>
    %sqrt3A = math.sqrt %add3A_24 : vector<512x128xf32>
    %max3A = arith.constant 9.99999996E-13 : f32
    %max3A_25 = vector.broadcast %max3A : f32 to vector<512x128xf32>
    %max3A_26 = arith.maximumf %sqrt3A, %max3A_25 : vector<512x128xf32>
    %div3A = arith.constant 1.000000e+00 : f32
    %div3A_27 = vector.broadcast %div3A : f32 to vector<512x128xf32>
    %div3A_28 = arith.divf %div3A_27, %max3A_26 : vector<512x128xf32>
    %mul3A_29 = arith.mulf %get3A_10, %div3A_28 : vector<512x128xf32>
    %mul3A_30 = arith.mulf %get3A_13, %div3A_28 : vector<512x128xf32>
    %mul3A_31 = arith.mulf %get3A_16, %div3A_28 : vector<512x128xf32>
    %mul3A_32 = arith.mulf %get3A_19, %div3A_28 : vector<512x128xf32>
    %exp3A = math.exp %get3A_1 : vector<512x128xf32>
    %exp3A_33 = math.exp %get3A_4 : vector<512x128xf32>
    %exp3A_34 = math.exp %get3A_7 : vector<512x128xf32>
    %mul3A_35 = arith.mulf %mul3A_31, %mul3A_31 : vector<512x128xf32>
    %mul3A_36 = arith.mulf %mul3A_32, %mul3A_32 : vector<512x128xf32>
    %add3A_37 = arith.addf %mul3A_35, %mul3A_36 : vector<512x128xf32>
    %mul3A_38 = arith.constant 2.000000e+00 : f32
    %mul3A_39 = vector.broadcast %mul3A_38 : f32 to vector<512x128xf32>
    %mul3A_40 = arith.mulf %mul3A_39, %add3A_37 : vector<512x128xf32>
    %sub3A = arith.constant 1.000000e+00 : f32
    %sub3A_41 = vector.broadcast %sub3A : f32 to vector<512x128xf32>
    %sub3A_42 = arith.subf %sub3A_41, %mul3A_40 : vector<512x128xf32>
    %mul3A_43 = arith.mulf %sub3A_42, %exp3A : vector<512x128xf32>
    %mul3A_44 = arith.mulf %mul3A_30, %mul3A_31 : vector<512x128xf32>
    %mul3A_45 = arith.mulf %mul3A_29, %mul3A_32 : vector<512x128xf32>
    %sub3A_46 = arith.subf %mul3A_44, %mul3A_45 : vector<512x128xf32>
    %mul3A_47 = arith.constant 2.000000e+00 : f32
    %mul3A_48 = vector.broadcast %mul3A_47 : f32 to vector<512x128xf32>
    %mul3A_49 = arith.mulf %mul3A_48, %sub3A_46 : vector<512x128xf32>
    %mul3A_50 = arith.mulf %mul3A_49, %exp3A_33 : vector<512x128xf32>
    %mul3A_51 = arith.mulf %mul3A_30, %mul3A_32 : vector<512x128xf32>
    %mul3A_52 = arith.mulf %mul3A_29, %mul3A_31 : vector<512x128xf32>
    %add3A_53 = arith.addf %mul3A_51, %mul3A_52 : vector<512x128xf32>
    %mul3A_54 = arith.constant 2.000000e+00 : f32
    %mul3A_55 = vector.broadcast %mul3A_54 : f32 to vector<512x128xf32>
    %mul3A_56 = arith.mulf %mul3A_55, %add3A_53 : vector<512x128xf32>
    %mul3A_57 = arith.mulf %mul3A_56, %exp3A_34 : vector<512x128xf32>
    %mul3A_58 = arith.mulf %mul3A_30, %mul3A_31 : vector<512x128xf32>
    %mul3A_59 = arith.mulf %mul3A_29, %mul3A_32 : vector<512x128xf32>
    %add3A_60 = arith.addf %mul3A_58, %mul3A_59 : vector<512x128xf32>
    %mul3A_61 = arith.constant 2.000000e+00 : f32
    %mul3A_62 = vector.broadcast %mul3A_61 : f32 to vector<512x128xf32>
    %mul3A_63 = arith.mulf %mul3A_62, %add3A_60 : vector<512x128xf32>
    %mul3A_64 = arith.mulf %mul3A_63, %exp3A : vector<512x128xf32>
    %mul3A_65 = arith.mulf %mul3A_30, %mul3A_30 : vector<512x128xf32>
    %mul3A_66 = arith.mulf %mul3A_32, %mul3A_32 : vector<512x128xf32>
    %add3A_67 = arith.addf %mul3A_65, %mul3A_66 : vector<512x128xf32>
    %mul3A_68 = arith.constant 2.000000e+00 : f32
    %mul3A_69 = vector.broadcast %mul3A_68 : f32 to vector<512x128xf32>
    %mul3A_70 = arith.mulf %mul3A_69, %add3A_67 : vector<512x128xf32>
    %sub3A_71 = arith.constant 1.000000e+00 : f32
    %sub3A_72 = vector.broadcast %sub3A_71 : f32 to vector<512x128xf32>
    %sub3A_73 = arith.subf %sub3A_72, %mul3A_70 : vector<512x128xf32>
    %mul3A_74 = arith.mulf %sub3A_73, %exp3A_33 : vector<512x128xf32>
    %mul3A_75 = arith.mulf %mul3A_31, %mul3A_32 : vector<512x128xf32>
    %mul3A_76 = arith.mulf %mul3A_29, %mul3A_30 : vector<512x128xf32>
    %sub3A_77 = arith.subf %mul3A_75, %mul3A_76 : vector<512x128xf32>
    %mul3A_78 = arith.constant 2.000000e+00 : f32
    %mul3A_79 = vector.broadcast %mul3A_78 : f32 to vector<512x128xf32>
    %mul3A_80 = arith.mulf %mul3A_79, %sub3A_77 : vector<512x128xf32>
    %mul3A_81 = arith.mulf %mul3A_80, %exp3A_34 : vector<512x128xf32>
    %mul3A_82 = arith.mulf %mul3A_30, %mul3A_32 : vector<512x128xf32>
    %mul3A_83 = arith.mulf %mul3A_29, %mul3A_31 : vector<512x128xf32>
    %sub3A_84 = arith.subf %mul3A_82, %mul3A_83 : vector<512x128xf32>
    %mul3A_85 = arith.constant 2.000000e+00 : f32
    %mul3A_86 = vector.broadcast %mul3A_85 : f32 to vector<512x128xf32>
    %mul3A_87 = arith.mulf %mul3A_86, %sub3A_84 : vector<512x128xf32>
    %mul3A_88 = arith.mulf %mul3A_87, %exp3A : vector<512x128xf32>
    %mul3A_89 = arith.mulf %mul3A_31, %mul3A_32 : vector<512x128xf32>
    %mul3A_90 = arith.mulf %mul3A_29, %mul3A_30 : vector<512x128xf32>
    %add3A_91 = arith.addf %mul3A_89, %mul3A_90 : vector<512x128xf32>
    %mul3A_92 = arith.constant 2.000000e+00 : f32
    %mul3A_93 = vector.broadcast %mul3A_92 : f32 to vector<512x128xf32>
    %mul3A_94 = arith.mulf %mul3A_93, %add3A_91 : vector<512x128xf32>
    %mul3A_95 = arith.mulf %mul3A_94, %exp3A_33 : vector<512x128xf32>
    %mul3A_96 = arith.mulf %mul3A_30, %mul3A_30 : vector<512x128xf32>
    %mul3A_97 = arith.mulf %mul3A_31, %mul3A_31 : vector<512x128xf32>
    %add3A_98 = arith.addf %mul3A_96, %mul3A_97 : vector<512x128xf32>
    %mul3A_99 = arith.constant 2.000000e+00 : f32
    %mul3A_100 = vector.broadcast %mul3A_99 : f32 to vector<512x128xf32>
    %mul3A_101 = arith.mulf %mul3A_100, %add3A_98 : vector<512x128xf32>
    %sub3A_102 = arith.constant 1.000000e+00 : f32
    %sub3A_103 = vector.broadcast %sub3A_102 : f32 to vector<512x128xf32>
    %sub3A_104 = arith.subf %sub3A_103, %mul3A_101 : vector<512x128xf32>
    %mul3A_105 = arith.mulf %sub3A_104, %exp3A_34 : vector<512x128xf32>
    %mul3A_106 = arith.mulf %mul3A_43, %mul3A_43 : vector<512x128xf32>
    %mul3A_107 = arith.mulf %mul3A_50, %mul3A_50 : vector<512x128xf32>
    %add3A_108 = arith.addf %mul3A_106, %mul3A_107 : vector<512x128xf32>
    %mul3A_109 = arith.mulf %mul3A_57, %mul3A_57 : vector<512x128xf32>
    %add3A_110 = arith.addf %add3A_108, %mul3A_109 : vector<512x128xf32>
    %mul3A_111 = arith.mulf %mul3A_43, %mul3A_64 : vector<512x128xf32>
    %mul3A_112 = arith.mulf %mul3A_50, %mul3A_74 : vector<512x128xf32>
    %add3A_113 = arith.addf %mul3A_111, %mul3A_112 : vector<512x128xf32>
    %mul3A_114 = arith.mulf %mul3A_57, %mul3A_81 : vector<512x128xf32>
    %add3A_115 = arith.addf %add3A_113, %mul3A_114 : vector<512x128xf32>
    %mul3A_116 = arith.mulf %mul3A_43, %mul3A_88 : vector<512x128xf32>
    %mul3A_117 = arith.mulf %mul3A_50, %mul3A_95 : vector<512x128xf32>
    %add3A_118 = arith.addf %mul3A_116, %mul3A_117 : vector<512x128xf32>
    %mul3A_119 = arith.mulf %mul3A_57, %mul3A_105 : vector<512x128xf32>
    %add3A_120 = arith.addf %add3A_118, %mul3A_119 : vector<512x128xf32>
    %mul3A_121 = arith.mulf %mul3A_64, %mul3A_64 : vector<512x128xf32>
    %mul3A_122 = arith.mulf %mul3A_74, %mul3A_74 : vector<512x128xf32>
    %add3A_123 = arith.addf %mul3A_121, %mul3A_122 : vector<512x128xf32>
    %mul3A_124 = arith.mulf %mul3A_81, %mul3A_81 : vector<512x128xf32>
    %add3A_125 = arith.addf %add3A_123, %mul3A_124 : vector<512x128xf32>
    %mul3A_126 = arith.mulf %mul3A_64, %mul3A_88 : vector<512x128xf32>
    %mul3A_127 = arith.mulf %mul3A_74, %mul3A_95 : vector<512x128xf32>
    %add3A_128 = arith.addf %mul3A_126, %mul3A_127 : vector<512x128xf32>
    %mul3A_129 = arith.mulf %mul3A_81, %mul3A_105 : vector<512x128xf32>
    %add3A_130 = arith.addf %add3A_128, %mul3A_129 : vector<512x128xf32>
    %mul3A_131 = arith.mulf %mul3A_88, %mul3A_88 : vector<512x128xf32>
    %mul3A_132 = arith.mulf %mul3A_95, %mul3A_95 : vector<512x128xf32>
    %add3A_133 = arith.addf %mul3A_131, %mul3A_132 : vector<512x128xf32>
    %mul3A_134 = arith.mulf %mul3A_105, %mul3A_105 : vector<512x128xf32>
    %add3A_135 = arith.addf %add3A_133, %mul3A_134 : vector<512x128xf32>
    %swap3A = arith.constant 0 : index
    %swap3A_136 = arith.constant 0 : index
    %swap3A_137 = arith.constant 0 : index
    %swap3A_138 = vector.load %arg8[%swap3A, %swap3A_136, %swap3A_137] : memref<9x512x128xf32, #tpu.memory_space<vmem>>, vector<1x512x128xf32>
    %swap3A_139 = vector.shape_cast %swap3A_138 : vector<1x512x128xf32> to vector<512x128xf32>
    %swap3A_140 = vector.shape_cast %add3A_110 : vector<512x128xf32> to vector<1x512x128xf32>
    tpu.vector_store %arg8[%swap3A, %swap3A_136, %swap3A_137], %swap3A_140 {strides = array<i32>} : memref<9x512x128xf32, #tpu.memory_space<vmem>>, vector<1x512x128xf32>,
    %swap3A_141 = arith.constant 1 : index
    %swap3A_142 = arith.constant 0 : index
    %swap3A_143 = arith.constant 0 : index
    %swap3A_144 = vector.load %arg8[%swap3A_141, %swap3A_142, %swap3A_143] : memref<9x512x128xf32, #tpu.memory_space<vmem>>, vector<1x512x128xf32>
    %swap3A_145 = vector.shape_cast %swap3A_144 : vector<1x512x128xf32> to vector<512x128xf32>
    %swap3A_146 = vector.shape_cast %add3A_115 : vector<512x128xf32> to vector<1x512x128xf32>
    tpu.vector_store %arg8[%swap3A_141, %swap3A_142, %swap3A_143], %swap3A_146 {strides = array<i32>} : memref<9x512x128xf32, #tpu.memory_space<vmem>>, vector<1x512x128xf32>,
    %swap3A_147 = arith.constant 2 : index
    %swap3A_148 = arith.constant 0 : index
    %swap3A_149 = arith.constant 0 : index
    %swap3A_150 = vector.load %arg8[%swap3A_147, %swap3A_148, %swap3A_149] : memref<9x512x128xf32, #tpu.memory_space<vmem>>, vector<1x512x128xf32>
    %swap3A_151 = vector.shape_cast %swap3A_150 : vector<1x512x128xf32> to vector<512x128xf32>
    %swap3A_152 = vector.shape_cast %add3A_120 : vector<512x128xf32> to vector<1x512x128xf32>
    tpu.vector_store %arg8[%swap3A_147, %swap3A_148, %swap3A_149], %swap3A_152 {strides = array<i32>} : memref<9x512x128xf32, #tpu.memory_space<vmem>>, vector<1x512x128xf32>,
    %swap3A_153 = arith.constant 3 : index
    %swap3A_154 = arith.constant 0 : index
    %swap3A_155 = arith.constant 0 : index
    %swap3A_156 = vector.load %arg8[%swap3A_153, %swap3A_154, %swap3A_155] : memref<9x512x128xf32, #tpu.memory_space<vmem>>, vector<1x512x128xf32>
    %swap3A_157 = vector.shape_cast %swap3A_156 : vector<1x512x128xf32> to vector<512x128xf32>
    %swap3A_158 = vector.shape_cast %add3A_115 : vector<512x128xf32> to vector<1x512x128xf32>
    tpu.vector_store %arg8[%swap3A_153, %swap3A_154, %swap3A_155], %swap3A_158 {strides = array<i32>} : memref<9x512x128xf32, #tpu.memory_space<vmem>>, vector<1x512x128xf32>,
    %swap3A_159 = arith.constant 4 : index
    %swap3A_160 = arith.constant 0 : index
    %swap3A_161 = arith.constant 0 : index
    %swap3A_162 = vector.load %arg8[%swap3A_159, %swap3A_160, %swap3A_161] : memref<9x512x128xf32, #tpu.memory_space<vmem>>, vector<1x512x128xf32>
    %swap3A_163 = vector.shape_cast %swap3A_162 : vector<1x512x128xf32> to vector<512x128xf32>
    %swap3A_164 = vector.shape_cast %add3A_125 : vector<512x128xf32> to vector<1x512x128xf32>
    tpu.vector_store %arg8[%swap3A_159, %swap3A_160, %swap3A_161], %swap3A_164 {strides = array<i32>} : memref<9x512x128xf32, #tpu.memory_space<vmem>>, vector<1x512x128xf32>,
    %swap3A_165 = arith.constant 5 : index
    %swap3A_166 = arith.constant 0 : index
    %swap3A_167 = arith.constant 0 : index
    %swap3A_168 = vector.load %arg8[%swap3A_165, %swap3A_166, %swap3A_167] : memref<9x512x128xf32, #tpu.memory_space<vmem>>, vector<1x512x128xf32>
    %swap3A_169 = vector.shape_cast %swap3A_168 : vector<1x512x128xf32> to vector<512x128xf32>
    %swap3A_170 = vector.shape_cast %add3A_130 : vector<512x128xf32> to vector<1x512x128xf32>
    tpu.vector_store %arg8[%swap3A_165, %swap3A_166, %swap3A_167], %swap3A_170 {strides = array<i32>} : memref<9x512x128xf32, #tpu.memory_space<vmem>>, vector<1x512x128xf32>,
    %swap3A_171 = arith.constant 6 : index
    %swap3A_172 = arith.constant 0 : index
    %swap3A_173 = arith.constant 0 : index
    %swap3A_174 = vector.load %arg8[%swap3A_171, %swap3A_172, %swap3A_173] : memref<9x512x128xf32, #tpu.memory_space<vmem>>, vector<1x512x128xf32>
    %swap3A_175 = vector.shape_cast %swap3A_174 : vector<1x512x128xf32> to vector<512x128xf32>
    %swap3A_176 = vector.shape_cast %add3A_120 : vector<512x128xf32> to vector<1x512x128xf32>
    tpu.vector_store %arg8[%swap3A_171, %swap3A_172, %swap3A_173], %swap3A_176 {strides = array<i32>} : memref<9x512x128xf32, #tpu.memory_space<vmem>>, vector<1x512x128xf32>,
    %swap3A_177 = arith.constant 7 : index
    %swap3A_178 = arith.constant 0 : index
    %swap3A_179 = arith.constant 0 : index
    %swap3A_180 = vector.load %arg8[%swap3A_177, %swap3A_178, %swap3A_179] : memref<9x512x128xf32, #tpu.memory_space<vmem>>, vector<1x512x128xf32>
    %swap3A_181 = vector.shape_cast %swap3A_180 : vector<1x512x128xf32> to vector<512x128xf32>
    %swap3A_182 = vector.shape_cast %add3A_130 : vector<512x128xf32> to vector<1x512x128xf32>
    tpu.vector_store %arg8[%swap3A_177, %swap3A_178, %swap3A_179], %swap3A_182 {strides = array<i32>} : memref<9x512x128xf32, #tpu.memory_space<vmem>>, vector<1x512x128xf32>,
    %swap3A_183 = arith.constant 8 : index
    %swap3A_184 = arith.constant 0 : index
    %swap3A_185 = arith.constant 0 : index
    %swap3A_186 = vector.load %arg8[%swap3A_183, %swap3A_184, %swap3A_185] : memref<9x512x128xf32, #tpu.memory_space<vmem>>, vector<1x512x128xf32>
    %swap3A_187 = vector.shape_cast %swap3A_186 : vector<1x512x128xf32> to vector<512x128xf32>
    %swap3A_188 = vector.shape_cast %add3A_135 : vector<512x128xf32> to vector<1x512x128xf32>
    tpu.vector_store %arg8[%swap3A_183, %swap3A_184, %swap3A_185], %swap3A_188 {strides = array<i32>} : memref<9x512x128xf32, #tpu.memory_space<vmem>>, vector<1x512x128xf32>,
    return
  }
  func.func @transform_0(%arg0: i32) -> (i32, i32) {
    %c0_i32 = arith.constant 0 : i32
    %c0_i32_0 = arith.constant 0 : i32
    return %arg0, %c0_i32 : i32, i32
  }
  func.func @transform_1(%arg0: i32) -> (i32, i32) {
    %c0_i32 = arith.constant 0 : i32
    %c0_i32_0 = arith.constant 0 : i32
    return %arg0, %c0_i32 : i32, i32
  }
  func.func @transform_2(%arg0: i32) -> (i32, i32) {
    %c0_i32 = arith.constant 0 : i32
    %c0_i32_0 = arith.constant 0 : i32
    return %arg0, %c0_i32 : i32, i32
  }
  func.func @transform_3(%arg0: i32) -> (i32, i32) {
    %c0_i32 = arith.constant 0 : i32
    %c0_i32_0 = arith.constant 0 : i32
    return %arg0, %c0_i32 : i32, i32
  }
  func.func @transform_4(%arg0: i32) -> (i32, i32) {
    %c0_i32 = arith.constant 0 : i32
    %c0_i32_0 = arith.constant 0 : i32
    return %arg0, %c0_i32 : i32, i32
  }
  func.func @transform_5(%arg0: i32) -> (i32, i32) {
    %c0_i32 = arith.constant 0 : i32
    %c0_i32_0 = arith.constant 0 : i32
    return %arg0, %c0_i32 : i32, i32
  }
  func.func @transform_6(%arg0: i32) -> (i32, i32) {
    %c0_i32 = arith.constant 0 : i32
    %c0_i32_0 = arith.constant 0 : i32
    return %arg0, %c0_i32 : i32, i32
  }
  func.func @transform_7(%arg0: i32) -> (i32, i32, i32) {
    %c0_i32 = arith.constant 0 : i32
    %c0_i32_0 = arith.constant 0 : i32
    %c0_i32_1 = arith.constant 0 : i32
    return %c0_i32, %arg0, %c0_i32_0 : i32, i32, i32
  }
}

module attributes {stable_mosaic.version = 14 : i64} {
  func.func @_cov_tail_body(%arg0: i32, %arg1: memref<512x128xf32, #tpu.memory_space<vmem>>, %arg2: memref<512x128xf32, #tpu.memory_space<vmem>>, %arg3: memref<512x128xf32, #tpu.memory_space<vmem>>, %arg4: memref<512x128xf32, #tpu.memory_space<vmem>>, %arg5: memref<512x128xf32, #tpu.memory_space<vmem>>, %arg6: memref<512x128xf32, #tpu.memory_space<vmem>>, %arg7: memref<512x128xf32, #tpu.memory_space<vmem>>, %arg8: memref<9x16384x128xf32, #tpu.memory_space<any>>, %arg9: memref<9x512x128xf32, #tpu.memory_space<vmem>>) attributes {dimension_semantics = [#tpu.dimension_semantics<arbitrary>], iteration_bounds = array<i64: 4>, scalar_prefetch = 0 : i64, scratch_operands = 0 : i64, tpu.core_type = #tpu.core_type<tc>, window_params = [{transform_indices = @transform_0, window_bounds = array<i64: 512, 128>}, {transform_indices = @transform_1, window_bounds = array<i64: 512, 128>}, {transform_indices = @transform_2, window_bounds = array<i64: 512, 128>}, {transform_indices = @transform_3, window_bounds = array<i64: 512, 128>}, {transform_indices = @transform_4, window_bounds = array<i64: 512, 128>}, {transform_indices = @transform_5, window_bounds = array<i64: 512, 128>}, {transform_indices = @transform_6, window_bounds = array<i64: 512, 128>}, {}, {transform_indices = @transform_8, window_bounds = array<i64: 9, 512, 128>}]} {
    %get3A = arith.constant 0 : index
    %get3A_0 = arith.constant 0 : index
    %get3A_1 = vector.load %arg1[%get3A, %get3A_0] : memref<512x128xf32, #tpu.memory_space<vmem>>, vector<512x128xf32>
    %get3A_2 = arith.constant 0 : index
    %get3A_3 = arith.constant 0 : index
    %get3A_4 = vector.load %arg2[%get3A_2, %get3A_3] : memref<512x128xf32, #tpu.memory_space<vmem>>, vector<512x128xf32>
    %get3A_5 = arith.constant 0 : index
    %get3A_6 = arith.constant 0 : index
    %get3A_7 = vector.load %arg3[%get3A_5, %get3A_6] : memref<512x128xf32, #tpu.memory_space<vmem>>, vector<512x128xf32>
    %get3A_8 = arith.constant 0 : index
    %get3A_9 = arith.constant 0 : index
    %get3A_10 = vector.load %arg4[%get3A_8, %get3A_9] : memref<512x128xf32, #tpu.memory_space<vmem>>, vector<512x128xf32>
    %get3A_11 = arith.constant 0 : index
    %get3A_12 = arith.constant 0 : index
    %get3A_13 = vector.load %arg5[%get3A_11, %get3A_12] : memref<512x128xf32, #tpu.memory_space<vmem>>, vector<512x128xf32>
    %get3A_14 = arith.constant 0 : index
    %get3A_15 = arith.constant 0 : index
    %get3A_16 = vector.load %arg6[%get3A_14, %get3A_15] : memref<512x128xf32, #tpu.memory_space<vmem>>, vector<512x128xf32>
    %get3A_17 = arith.constant 0 : index
    %get3A_18 = arith.constant 0 : index
    %get3A_19 = vector.load %arg7[%get3A_17, %get3A_18] : memref<512x128xf32, #tpu.memory_space<vmem>>, vector<512x128xf32>
    %mul3A = arith.mulf %get3A_10, %get3A_10 : vector<512x128xf32>
    %mul3A_20 = arith.mulf %get3A_13, %get3A_13 : vector<512x128xf32>
    %add3A = arith.addf %mul3A, %mul3A_20 : vector<512x128xf32>
    %mul3A_21 = arith.mulf %get3A_16, %get3A_16 : vector<512x128xf32>
    %add3A_22 = arith.addf %add3A, %mul3A_21 : vector<512x128xf32>
    %mul3A_23 = arith.mulf %get3A_19, %get3A_19 : vector<512x128xf32>
    %add3A_24 = arith.addf %add3A_22, %mul3A_23 : vector<512x128xf32>
    %sqrt3A = math.sqrt %add3A_24 : vector<512x128xf32>
    %max3A = arith.constant 9.99999996E-13 : f32
    %max3A_25 = vector.broadcast %max3A : f32 to vector<512x128xf32>
    %max3A_26 = arith.maximumf %sqrt3A, %max3A_25 : vector<512x128xf32>
    %div3A = arith.constant 1.000000e+00 : f32
    %div3A_27 = vector.broadcast %div3A : f32 to vector<512x128xf32>
    %div3A_28 = arith.divf %div3A_27, %max3A_26 : vector<512x128xf32>
    %mul3A_29 = arith.mulf %get3A_10, %div3A_28 : vector<512x128xf32>
    %mul3A_30 = arith.mulf %get3A_13, %div3A_28 : vector<512x128xf32>
    %mul3A_31 = arith.mulf %get3A_16, %div3A_28 : vector<512x128xf32>
    %mul3A_32 = arith.mulf %get3A_19, %div3A_28 : vector<512x128xf32>
    %exp3A = math.exp %get3A_1 : vector<512x128xf32>
    %exp3A_33 = math.exp %get3A_4 : vector<512x128xf32>
    %exp3A_34 = math.exp %get3A_7 : vector<512x128xf32>
    %mul3A_35 = arith.mulf %mul3A_31, %mul3A_31 : vector<512x128xf32>
    %mul3A_36 = arith.mulf %mul3A_32, %mul3A_32 : vector<512x128xf32>
    %add3A_37 = arith.addf %mul3A_35, %mul3A_36 : vector<512x128xf32>
    %mul3A_38 = arith.constant 2.000000e+00 : f32
    %mul3A_39 = vector.broadcast %mul3A_38 : f32 to vector<512x128xf32>
    %mul3A_40 = arith.mulf %mul3A_39, %add3A_37 : vector<512x128xf32>
    %sub3A = arith.constant 1.000000e+00 : f32
    %sub3A_41 = vector.broadcast %sub3A : f32 to vector<512x128xf32>
    %sub3A_42 = arith.subf %sub3A_41, %mul3A_40 : vector<512x128xf32>
    %mul3A_43 = arith.mulf %sub3A_42, %exp3A : vector<512x128xf32>
    %mul3A_44 = arith.mulf %mul3A_30, %mul3A_31 : vector<512x128xf32>
    %mul3A_45 = arith.mulf %mul3A_29, %mul3A_32 : vector<512x128xf32>
    %sub3A_46 = arith.subf %mul3A_44, %mul3A_45 : vector<512x128xf32>
    %mul3A_47 = arith.constant 2.000000e+00 : f32
    %mul3A_48 = vector.broadcast %mul3A_47 : f32 to vector<512x128xf32>
    %mul3A_49 = arith.mulf %mul3A_48, %sub3A_46 : vector<512x128xf32>
    %mul3A_50 = arith.mulf %mul3A_49, %exp3A_33 : vector<512x128xf32>
    %mul3A_51 = arith.mulf %mul3A_30, %mul3A_32 : vector<512x128xf32>
    %mul3A_52 = arith.mulf %mul3A_29, %mul3A_31 : vector<512x128xf32>
    %add3A_53 = arith.addf %mul3A_51, %mul3A_52 : vector<512x128xf32>
    %mul3A_54 = arith.constant 2.000000e+00 : f32
    %mul3A_55 = vector.broadcast %mul3A_54 : f32 to vector<512x128xf32>
    %mul3A_56 = arith.mulf %mul3A_55, %add3A_53 : vector<512x128xf32>
    %mul3A_57 = arith.mulf %mul3A_56, %exp3A_34 : vector<512x128xf32>
    %mul3A_58 = arith.mulf %mul3A_30, %mul3A_31 : vector<512x128xf32>
    %mul3A_59 = arith.mulf %mul3A_29, %mul3A_32 : vector<512x128xf32>
    %add3A_60 = arith.addf %mul3A_58, %mul3A_59 : vector<512x128xf32>
    %mul3A_61 = arith.constant 2.000000e+00 : f32
    %mul3A_62 = vector.broadcast %mul3A_61 : f32 to vector<512x128xf32>
    %mul3A_63 = arith.mulf %mul3A_62, %add3A_60 : vector<512x128xf32>
    %mul3A_64 = arith.mulf %mul3A_63, %exp3A : vector<512x128xf32>
    %mul3A_65 = arith.mulf %mul3A_30, %mul3A_30 : vector<512x128xf32>
    %mul3A_66 = arith.mulf %mul3A_32, %mul3A_32 : vector<512x128xf32>
    %add3A_67 = arith.addf %mul3A_65, %mul3A_66 : vector<512x128xf32>
    %mul3A_68 = arith.constant 2.000000e+00 : f32
    %mul3A_69 = vector.broadcast %mul3A_68 : f32 to vector<512x128xf32>
    %mul3A_70 = arith.mulf %mul3A_69, %add3A_67 : vector<512x128xf32>
    %sub3A_71 = arith.constant 1.000000e+00 : f32
    %sub3A_72 = vector.broadcast %sub3A_71 : f32 to vector<512x128xf32>
    %sub3A_73 = arith.subf %sub3A_72, %mul3A_70 : vector<512x128xf32>
    %mul3A_74 = arith.mulf %sub3A_73, %exp3A_33 : vector<512x128xf32>
    %mul3A_75 = arith.mulf %mul3A_31, %mul3A_32 : vector<512x128xf32>
    %mul3A_76 = arith.mulf %mul3A_29, %mul3A_30 : vector<512x128xf32>
    %sub3A_77 = arith.subf %mul3A_75, %mul3A_76 : vector<512x128xf32>
    %mul3A_78 = arith.constant 2.000000e+00 : f32
    %mul3A_79 = vector.broadcast %mul3A_78 : f32 to vector<512x128xf32>
    %mul3A_80 = arith.mulf %mul3A_79, %sub3A_77 : vector<512x128xf32>
    %mul3A_81 = arith.mulf %mul3A_80, %exp3A_34 : vector<512x128xf32>
    %mul3A_82 = arith.mulf %mul3A_30, %mul3A_32 : vector<512x128xf32>
    %mul3A_83 = arith.mulf %mul3A_29, %mul3A_31 : vector<512x128xf32>
    %sub3A_84 = arith.subf %mul3A_82, %mul3A_83 : vector<512x128xf32>
    %mul3A_85 = arith.constant 2.000000e+00 : f32
    %mul3A_86 = vector.broadcast %mul3A_85 : f32 to vector<512x128xf32>
    %mul3A_87 = arith.mulf %mul3A_86, %sub3A_84 : vector<512x128xf32>
    %mul3A_88 = arith.mulf %mul3A_87, %exp3A : vector<512x128xf32>
    %mul3A_89 = arith.mulf %mul3A_31, %mul3A_32 : vector<512x128xf32>
    %mul3A_90 = arith.mulf %mul3A_29, %mul3A_30 : vector<512x128xf32>
    %add3A_91 = arith.addf %mul3A_89, %mul3A_90 : vector<512x128xf32>
    %mul3A_92 = arith.constant 2.000000e+00 : f32
    %mul3A_93 = vector.broadcast %mul3A_92 : f32 to vector<512x128xf32>
    %mul3A_94 = arith.mulf %mul3A_93, %add3A_91 : vector<512x128xf32>
    %mul3A_95 = arith.mulf %mul3A_94, %exp3A_33 : vector<512x128xf32>
    %mul3A_96 = arith.mulf %mul3A_30, %mul3A_30 : vector<512x128xf32>
    %mul3A_97 = arith.mulf %mul3A_31, %mul3A_31 : vector<512x128xf32>
    %add3A_98 = arith.addf %mul3A_96, %mul3A_97 : vector<512x128xf32>
    %mul3A_99 = arith.constant 2.000000e+00 : f32
    %mul3A_100 = vector.broadcast %mul3A_99 : f32 to vector<512x128xf32>
    %mul3A_101 = arith.mulf %mul3A_100, %add3A_98 : vector<512x128xf32>
    %sub3A_102 = arith.constant 1.000000e+00 : f32
    %sub3A_103 = vector.broadcast %sub3A_102 : f32 to vector<512x128xf32>
    %sub3A_104 = arith.subf %sub3A_103, %mul3A_101 : vector<512x128xf32>
    %mul3A_105 = arith.mulf %sub3A_104, %exp3A_34 : vector<512x128xf32>
    %mul3A_106 = arith.mulf %mul3A_43, %mul3A_43 : vector<512x128xf32>
    %mul3A_107 = arith.mulf %mul3A_50, %mul3A_50 : vector<512x128xf32>
    %add3A_108 = arith.addf %mul3A_106, %mul3A_107 : vector<512x128xf32>
    %mul3A_109 = arith.mulf %mul3A_57, %mul3A_57 : vector<512x128xf32>
    %add3A_110 = arith.addf %add3A_108, %mul3A_109 : vector<512x128xf32>
    %mul3A_111 = arith.mulf %mul3A_43, %mul3A_64 : vector<512x128xf32>
    %mul3A_112 = arith.mulf %mul3A_50, %mul3A_74 : vector<512x128xf32>
    %add3A_113 = arith.addf %mul3A_111, %mul3A_112 : vector<512x128xf32>
    %mul3A_114 = arith.mulf %mul3A_57, %mul3A_81 : vector<512x128xf32>
    %add3A_115 = arith.addf %add3A_113, %mul3A_114 : vector<512x128xf32>
    %mul3A_116 = arith.mulf %mul3A_43, %mul3A_88 : vector<512x128xf32>
    %mul3A_117 = arith.mulf %mul3A_50, %mul3A_95 : vector<512x128xf32>
    %add3A_118 = arith.addf %mul3A_116, %mul3A_117 : vector<512x128xf32>
    %mul3A_119 = arith.mulf %mul3A_57, %mul3A_105 : vector<512x128xf32>
    %add3A_120 = arith.addf %add3A_118, %mul3A_119 : vector<512x128xf32>
    %mul3A_121 = arith.mulf %mul3A_64, %mul3A_64 : vector<512x128xf32>
    %mul3A_122 = arith.mulf %mul3A_74, %mul3A_74 : vector<512x128xf32>
    %add3A_123 = arith.addf %mul3A_121, %mul3A_122 : vector<512x128xf32>
    %mul3A_124 = arith.mulf %mul3A_81, %mul3A_81 : vector<512x128xf32>
    %add3A_125 = arith.addf %add3A_123, %mul3A_124 : vector<512x128xf32>
    %mul3A_126 = arith.mulf %mul3A_64, %mul3A_88 : vector<512x128xf32>
    %mul3A_127 = arith.mulf %mul3A_74, %mul3A_95 : vector<512x128xf32>
    %add3A_128 = arith.addf %mul3A_126, %mul3A_127 : vector<512x128xf32>
    %mul3A_129 = arith.mulf %mul3A_81, %mul3A_105 : vector<512x128xf32>
    %add3A_130 = arith.addf %add3A_128, %mul3A_129 : vector<512x128xf32>
    %mul3A_131 = arith.mulf %mul3A_88, %mul3A_88 : vector<512x128xf32>
    %mul3A_132 = arith.mulf %mul3A_95, %mul3A_95 : vector<512x128xf32>
    %add3A_133 = arith.addf %mul3A_131, %mul3A_132 : vector<512x128xf32>
    %mul3A_134 = arith.mulf %mul3A_105, %mul3A_105 : vector<512x128xf32>
    %add3A_135 = arith.addf %add3A_133, %mul3A_134 : vector<512x128xf32>
    %swap3A = arith.constant 0 : index
    %swap3A_136 = arith.constant 0 : index
    %swap3A_137 = arith.constant 0 : index
    %swap3A_138 = vector.load %arg9[%swap3A, %swap3A_136, %swap3A_137] : memref<9x512x128xf32, #tpu.memory_space<vmem>>, vector<1x512x128xf32>
    %swap3A_139 = vector.shape_cast %swap3A_138 : vector<1x512x128xf32> to vector<512x128xf32>
    %swap3A_140 = vector.shape_cast %add3A_110 : vector<512x128xf32> to vector<1x512x128xf32>
    tpu.vector_store %arg9[%swap3A, %swap3A_136, %swap3A_137], %swap3A_140 {strides = array<i32>} : memref<9x512x128xf32, #tpu.memory_space<vmem>>, vector<1x512x128xf32>,
    %swap3A_141 = arith.constant 1 : index
    %swap3A_142 = arith.constant 0 : index
    %swap3A_143 = arith.constant 0 : index
    %swap3A_144 = vector.load %arg9[%swap3A_141, %swap3A_142, %swap3A_143] : memref<9x512x128xf32, #tpu.memory_space<vmem>>, vector<1x512x128xf32>
    %swap3A_145 = vector.shape_cast %swap3A_144 : vector<1x512x128xf32> to vector<512x128xf32>
    %swap3A_146 = vector.shape_cast %add3A_115 : vector<512x128xf32> to vector<1x512x128xf32>
    tpu.vector_store %arg9[%swap3A_141, %swap3A_142, %swap3A_143], %swap3A_146 {strides = array<i32>} : memref<9x512x128xf32, #tpu.memory_space<vmem>>, vector<1x512x128xf32>,
    %swap3A_147 = arith.constant 2 : index
    %swap3A_148 = arith.constant 0 : index
    %swap3A_149 = arith.constant 0 : index
    %swap3A_150 = vector.load %arg9[%swap3A_147, %swap3A_148, %swap3A_149] : memref<9x512x128xf32, #tpu.memory_space<vmem>>, vector<1x512x128xf32>
    %swap3A_151 = vector.shape_cast %swap3A_150 : vector<1x512x128xf32> to vector<512x128xf32>
    %swap3A_152 = vector.shape_cast %add3A_120 : vector<512x128xf32> to vector<1x512x128xf32>
    tpu.vector_store %arg9[%swap3A_147, %swap3A_148, %swap3A_149], %swap3A_152 {strides = array<i32>} : memref<9x512x128xf32, #tpu.memory_space<vmem>>, vector<1x512x128xf32>,
    %swap3A_153 = arith.constant 3 : index
    %swap3A_154 = arith.constant 0 : index
    %swap3A_155 = arith.constant 0 : index
    %swap3A_156 = vector.load %arg9[%swap3A_153, %swap3A_154, %swap3A_155] : memref<9x512x128xf32, #tpu.memory_space<vmem>>, vector<1x512x128xf32>
    %swap3A_157 = vector.shape_cast %swap3A_156 : vector<1x512x128xf32> to vector<512x128xf32>
    %swap3A_158 = vector.shape_cast %add3A_115 : vector<512x128xf32> to vector<1x512x128xf32>
    tpu.vector_store %arg9[%swap3A_153, %swap3A_154, %swap3A_155], %swap3A_158 {strides = array<i32>} : memref<9x512x128xf32, #tpu.memory_space<vmem>>, vector<1x512x128xf32>,
    %swap3A_159 = arith.constant 4 : index
    %swap3A_160 = arith.constant 0 : index
    %swap3A_161 = arith.constant 0 : index
    %swap3A_162 = vector.load %arg9[%swap3A_159, %swap3A_160, %swap3A_161] : memref<9x512x128xf32, #tpu.memory_space<vmem>>, vector<1x512x128xf32>
    %swap3A_163 = vector.shape_cast %swap3A_162 : vector<1x512x128xf32> to vector<512x128xf32>
    %swap3A_164 = vector.shape_cast %add3A_125 : vector<512x128xf32> to vector<1x512x128xf32>
    tpu.vector_store %arg9[%swap3A_159, %swap3A_160, %swap3A_161], %swap3A_164 {strides = array<i32>} : memref<9x512x128xf32, #tpu.memory_space<vmem>>, vector<1x512x128xf32>,
    %swap3A_165 = arith.constant 5 : index
    %swap3A_166 = arith.constant 0 : index
    %swap3A_167 = arith.constant 0 : index
    %swap3A_168 = vector.load %arg9[%swap3A_165, %swap3A_166, %swap3A_167] : memref<9x512x128xf32, #tpu.memory_space<vmem>>, vector<1x512x128xf32>
    %swap3A_169 = vector.shape_cast %swap3A_168 : vector<1x512x128xf32> to vector<512x128xf32>
    %swap3A_170 = vector.shape_cast %add3A_130 : vector<512x128xf32> to vector<1x512x128xf32>
    tpu.vector_store %arg9[%swap3A_165, %swap3A_166, %swap3A_167], %swap3A_170 {strides = array<i32>} : memref<9x512x128xf32, #tpu.memory_space<vmem>>, vector<1x512x128xf32>,
    %swap3A_171 = arith.constant 6 : index
    %swap3A_172 = arith.constant 0 : index
    %swap3A_173 = arith.constant 0 : index
    %swap3A_174 = vector.load %arg9[%swap3A_171, %swap3A_172, %swap3A_173] : memref<9x512x128xf32, #tpu.memory_space<vmem>>, vector<1x512x128xf32>
    %swap3A_175 = vector.shape_cast %swap3A_174 : vector<1x512x128xf32> to vector<512x128xf32>
    %swap3A_176 = vector.shape_cast %add3A_120 : vector<512x128xf32> to vector<1x512x128xf32>
    tpu.vector_store %arg9[%swap3A_171, %swap3A_172, %swap3A_173], %swap3A_176 {strides = array<i32>} : memref<9x512x128xf32, #tpu.memory_space<vmem>>, vector<1x512x128xf32>,
    %swap3A_177 = arith.constant 7 : index
    %swap3A_178 = arith.constant 0 : index
    %swap3A_179 = arith.constant 0 : index
    %swap3A_180 = vector.load %arg9[%swap3A_177, %swap3A_178, %swap3A_179] : memref<9x512x128xf32, #tpu.memory_space<vmem>>, vector<1x512x128xf32>
    %swap3A_181 = vector.shape_cast %swap3A_180 : vector<1x512x128xf32> to vector<512x128xf32>
    %swap3A_182 = vector.shape_cast %add3A_130 : vector<512x128xf32> to vector<1x512x128xf32>
    tpu.vector_store %arg9[%swap3A_177, %swap3A_178, %swap3A_179], %swap3A_182 {strides = array<i32>} : memref<9x512x128xf32, #tpu.memory_space<vmem>>, vector<1x512x128xf32>,
    %swap3A_183 = arith.constant 8 : index
    %swap3A_184 = arith.constant 0 : index
    %swap3A_185 = arith.constant 0 : index
    %swap3A_186 = vector.load %arg9[%swap3A_183, %swap3A_184, %swap3A_185] : memref<9x512x128xf32, #tpu.memory_space<vmem>>, vector<1x512x128xf32>
    %swap3A_187 = vector.shape_cast %swap3A_186 : vector<1x512x128xf32> to vector<512x128xf32>
    %swap3A_188 = vector.shape_cast %add3A_135 : vector<512x128xf32> to vector<1x512x128xf32>
    tpu.vector_store %arg9[%swap3A_183, %swap3A_184, %swap3A_185], %swap3A_188 {strides = array<i32>} : memref<9x512x128xf32, #tpu.memory_space<vmem>>, vector<1x512x128xf32>,
    return
  }
  func.func @transform_0(%arg0: i32) -> (i32, i32) {
    %c0_i32 = arith.constant 0 : i32
    %c0_i32_0 = arith.constant 0 : i32
    return %arg0, %c0_i32 : i32, i32
  }
  func.func @transform_1(%arg0: i32) -> (i32, i32) {
    %c0_i32 = arith.constant 0 : i32
    %c0_i32_0 = arith.constant 0 : i32
    return %arg0, %c0_i32 : i32, i32
  }
  func.func @transform_2(%arg0: i32) -> (i32, i32) {
    %c0_i32 = arith.constant 0 : i32
    %c0_i32_0 = arith.constant 0 : i32
    return %arg0, %c0_i32 : i32, i32
  }
  func.func @transform_3(%arg0: i32) -> (i32, i32) {
    %c0_i32 = arith.constant 0 : i32
    %c0_i32_0 = arith.constant 0 : i32
    return %arg0, %c0_i32 : i32, i32
  }
  func.func @transform_4(%arg0: i32) -> (i32, i32) {
    %c0_i32 = arith.constant 0 : i32
    %c0_i32_0 = arith.constant 0 : i32
    return %arg0, %c0_i32 : i32, i32
  }
  func.func @transform_5(%arg0: i32) -> (i32, i32) {
    %c0_i32 = arith.constant 0 : i32
    %c0_i32_0 = arith.constant 0 : i32
    return %arg0, %c0_i32 : i32, i32
  }
  func.func @transform_6(%arg0: i32) -> (i32, i32) {
    %c0_i32 = arith.constant 0 : i32
    %c0_i32_0 = arith.constant 0 : i32
    return %arg0, %c0_i32 : i32, i32
  }
  func.func @transform_8(%arg0: i32) -> (i32, i32, i32) {
    %add3A = arith.constant 28 : i32
    %add3A_0 = arith.addi %add3A, %arg0 : i32
    %c0_i32 = arith.constant 0 : i32
    %c0_i32_1 = arith.constant 0 : i32
    %c0_i32_2 = arith.constant 0 : i32
    return %c0_i32, %add3A_0, %c0_i32_1 : i32, i32, i32
  }
}

</mosaic_0001>

<sc_bundles>
// kernel: kernel.6.cloned.1.call-start
scs
__scs_entry_jumppad:
0x0: {  	(pc) =	sbr.rel $0x88, $3  }
0x1: {  	(tag) =	ssettag $0x0;
	lr =	simm.s32 $0x1  }
0x2: {  	[smem:$0x3F9E] =	sst lr;
	_ =	strace $0xD0000000  }
0x3: {  	_ = 	snop  }
0x4: {  	_ = 	snop  }
0x5: {  	_ = 	snop  }
0x6: {  	_ = 	snop  }
0x7: {  	_ = 	snop  }
__scs_overlays_trampoline_lowered:
0x8: {  	[smem:$0x3FAD] =	sst s0  }
0x9: {  	[smem:$0x3FAE] =	sst s1  }
0xa: {  	[smem:$0x3FAF] =	sst s2  }
0xb: {  	[smem:$0x3FB0] =	sst s3  }
0xc: {  	[smem:$0x3FB1] =	sst s4  }
0xd: {  	[smem:$0x3FB2] =	sst s5  }
0xe: {  	[smem:$0x3FB3] =	sst s6  }
0xf: {  	[smem:$0x3FB4] =	sst s7  }
0x10: {  	[smem:$0x3FB5] =	sst s8  }
0x11: {  	[smem:$0x3FB6] =	sst s9;
	s0 =	simm.s32 @!p0 $0x0  }
0x12: {  	s1 =	sld [smem:$0x3F9C];
	s0 =	simm.s32 @p0 $0x1  }
0x13: {  	[smem:$0x3FB7] =	sst s0;
	s0 =	simm.s32 @!p1 $0x0  }
0x14: {  	s2 =	sld [smem:$0x3F9B];
	s0 =	simm.s32 @p1 $0x1  }
0x15: {  	[smem:$0x3FB8] =	sst s0;
	s0 =	simm.s32 @!p2 $0x0  }
0x16: {  	s3 =	sld [smem:$0x3FDB];
	s0 =	simm.s32 @p2 $0x1  }
0x17: {  	s4 =	simm.s32 $0x1BF5;
	[smem:$0x3FBA] =	sst s0  }
0x18: {  	s0 =	sld [smem:$0x3F9D];
	_ =	swait.ge [sflag:s4], $0x0  }
0x19: {  	s7 =	sld [smem:$0x3F9E]  }
0x1a: {  	s8 =	sadd.s32 $0xFFFFE003, lr  }
0x1b: {  	s9 =	sadd.s32 $0xFFFFFEF7, lr;
	s5 =	simm.s32 $0xFFFFFFFF;
	p2 =	slt.u32 s8, $0xFFFFF086  }
0x1c: {  	p1 =	slt.u32 s9, $0xF7A;
	s5 =	simm.s32 @!p2 $0x0  }
0x1d: {  	s5 =	simm.s32 @p1 $0x1;
	p0 =	seq.s32 s7, s2  }
0x1e: {  	s7 =	smul.u32 @!p0 $0xF7A, s2;
	p2 =	seq.s32 @!p0 s5, $0x0  }
0x1f: {  	s9 =	smul.u32 $0xF7A, s1;
	s8 =	simm.s32 @!p0 $0x1BF5;
	p2 =	por !p2, p0  }
0x20: {  	[sflag:s8] =	ssyncset.s32 @!p0 $0xFFFFF086;
	s6 =	sadd.s32 @!p0 s3, s7;
	s7 =	simm.s32 @!p0 $0x108  }
0x21: {  	s3 =	sadd.s32 s3, s9;
	s6 =	sadd.s32 @!p0 $0x88, s6;
	s7 =	simm.s32 @p2 $0x1082  }
0x22: {  	[simem:s7], [sflag:s8] =	dma.local @!p0 [hbm:s6], $0xF7A  }
0x23: {  	s9 =	sor.u32 $0xD0000000, s2;
	s6 =	simm.s32 $0x108;
	_ =	swait.ge @!p0 [sflag:s8], $0x0  }
0x24: {  	s3 =	sadd.s32 $0x88, s3;
	s6 =	simm.s32 @!p1 $0x1082;
	[sflag:s4] =	ssyncset.s32 $0xFFFFF086  }
0x25: {  	[simem:s6], [sflag:s4] =	dma.local [hbm:s3], $0xF7A  }
0x26: {  	[smem:$0x3F9E] =	sst s1;
	(tag) =	ssettag s2;
	_ =	strace s9  }
0x27: {  	s1 =	sld [smem:$0x3FAE]  }
0x28: {  	s2 =	sld [smem:$0x3FAF]  }
0x29: {  	s4 =	sld [smem:$0x3FB1]  }
0x2a: {  	p0 =	seq.s32 s5, $0x0;
	s5 =	sld [smem:$0x3FB2]  }
0x2b: {  	s6 =	sld [smem:$0x3FB3]  }
0x2c: {  	s7 =	sld [smem:$0x3FB4]  }
0x2d: {  	s3 =	simm.s32 $0x108;
	s8 =	sld [smem:$0x3FB5]  }
0x2e: {  	s3 =	simm.s32 @!p0 $0x1082;
	s9 =	sld [smem:$0x3FB6]  }
0x2f: {  	lr =	sadd.s32 s0, s3;
	s0 =	sld [smem:$0x3FAD]  }
0x30: {  	s3 =	sld [smem:$0x3FB0]  }
0x31: {  	[smem:$0x3FB9] =	sst s10  }
0x32: {  	s10 =	sld [smem:$0x3FB7];
	_ =	sdelay $0x3  }
0x33: {  	p0 =	seq.s32 s10, $0x1;
	s10 =	sld [smem:$0x3FB9];
	_ =	sdelay $0x3  }
0x34: {  	[smem:$0x3FB9] =	sst s10  }
0x35: {  	s10 =	sld [smem:$0x3FB8];
	_ =	sdelay $0x3  }
0x36: {  	p1 =	seq.s32 s10, $0x1;
	s10 =	sld [smem:$0x3FB9];
	_ =	sdelay $0x3  }
0x37: {  	[smem:$0x3FB9] =	sst s10  }
0x38: {  	s10 =	sld [smem:$0x3FBA]  }
0x39: {  	_ = 	snop;
	(pc) =	sbr.ind lr, $3  }
0x3a: {  	_ = 	snop  }
0x3b: {  	_ = 	snop  }
0x3c: {  	p2 =	seq.s32 s10, $0x1;
	s10 =	sld [smem:$0x3FB9]  }
0x3d: {  	_ =	shalt  }
0x3e: {  	_ =	shalt  }
0x3f: {  	_ =	shalt  }
0x40: {  	_ =	shalt  }
0x41: {  	_ =	shalt  }
0x42: {  	_ =	shalt  }
0x43: {  	_ =	shalt  }
0x44: {  	_ =	shalt  }
0x45: {  	_ =	shalt  }
0x46: {  	_ =	shalt  }
0x47: {  	_ =	shalt  }
0x48: {  	_ =	shalt  }
0x49: {  	_ =	shalt  }
0x4a: {  	_ =	shalt  }
0x4b: {  	_ =	shalt  }
0x4c: {  	_ =	shalt  }
0x4d: {  	_ =	shalt  }
0x4e: {  	_ =	shalt  }
0x4f: {  	_ =	shalt  }
0x50: {  	_ =	shalt  }
0x51: {  	_ =	shalt  }
0x52: {  	_ =	shalt  }
0x53: {  	_ =	shalt  }
0x54: {  	_ =	shalt  }
0x55: {  	_ =	shalt  }
0x56: {  	_ =	shalt  }
0x57: {  	_ =	shalt  }
0x58: {  	_ =	shalt  }
0x59: {  	_ =	shalt  }
0x5a: {  	_ =	shalt  }
0x5b: {  	_ =	shalt  }
0x5c: {  	_ =	shalt  }
0x5d: {  	_ =	shalt  }
0x5e: {  	_ =	shalt  }
0x5f: {  	_ =	shalt  }
0x60: {  	_ =	shalt  }
0x61: {  	_ =	shalt  }
0x62: {  	_ =	shalt  }
0x63: {  	_ =	shalt  }
0x64: {  	_ =	shalt  }
0x65: {  	_ =	shalt  }
0x66: {  	_ =	shalt  }
0x67: {  	_ =	shalt  }
0x68: {  	_ =	shalt  }
0x69: {  	_ =	shalt  }
0x6a: {  	_ =	shalt  }
0x6b: {  	_ =	shalt  }
0x6c: {  	_ =	shalt  }
0x6d: {  	_ =	shalt  }
0x6e: {  	_ =	shalt  }
0x6f: {  	_ =	shalt  }
0x70: {  	_ =	shalt  }
0x71: {  	_ =	shalt  }
0x72: {  	_ =	shalt  }
0x73: {  	_ =	shalt  }
0x74: {  	_ =	shalt  }
0x75: {  	_ =	shalt  }
0x76: {  	_ =	shalt  }
0x77: {  	_ =	shalt  }
0x78: {  	_ =	shalt  }
0x79: {  	_ =	shalt  }
0x7a: {  	_ =	shalt  }
0x7b: {  	_ =	shalt  }
0x7c: {  	_ =	shalt  }
0x7d: {  	_ =	shalt  }
0x7e: {  	_ =	shalt  }
0x7f: {  	_ =	shalt  }
0x80: {  	_ =	shalt  }
0x81: {  	_ =	shalt  }
0x82: {  	_ =	shalt  }
0x83: {  	_ =	shalt  }
0x84: {  	_ =	shalt  }
0x85: {  	_ =	shalt  }
0x86: {  	_ =	shalt  }
0x87: {  	_ =	shalt  }
.Lfunc_end0:
.L_simem_size_0:
called_computation_lowered:
.L_overlay_start_0:
0x88: {  	s2 =	sld [smem:$0x3FD9]  }
0x89: {  	s3 =	sld [smem:$0x3FFE];
	_ =	sdelay $0x1  }
0x8a: {  	s1 =	srdreg.scid  }
0x8b: {  	s0 =	sand.u32 $0x1, s1  }
0x8c: {  	s17 =	sshll.u32 s0, $0xA;
	s2 =	sadd.s32 s3, s2  }
0x8d: {  	s2 =	sadd.s32 s2, s17  }
0x8e: {  	[smem:$0x3FC5] =	sst s2  }
0x8f: {  	_ = 	snop  }
0x90: {  	s2 =	sld [smem:$0x3FC7]  }
0x91: {  	s18 =	sld [smem:$0x3FD0];
	(tm) =	ssettm $0x1  }
0x92: {  	s4 =	sld [smem:$0x3FFB];
	_ =	sdelay $0x3  }
0x93: {  	_ =	strace s4  }
0x94: {  	s4 =	sld [smem:$0x3FFC];
	_ =	sdelay $0x3  }
0x95: {  	_ =	strace s4  }
0x96: {  	s4 =	sld [smem:$0x3FFD];
	_ =	sdelay $0x3  }
0x97: {  	_ =	strace s4  }
0x98: {  	_ =	strace $0x8FFFFFFF  }
0x99: {  	s19 =	sld [smem:$0x3FDB];
	_ =	sdelay $0x1  }
0x9a: {  	s5 =	simm.s32 $_scs_section_size  }
0x9b: {  	s6 =	simm.s32 $_size__tile_overlayer_lowered;
	s7 =	simm.s32 $_tile_overlayer_lowered  }
0x9c: {  	s22 =	simm.s32 $0x1BFF;
	s21 =	sshll.u32 s7, $0x1;
	s4 =	sadd.s32 s5, s19  }
0x9d: {  	s8 =	simm.s32 $0x0;
	s20 =	sshll.u32 s6, $0x1;
	s6 =	sadd.s32 s21, s4  }
0x9e: {  	[timem:s8], [sflag:s22] =	dma.local [hbm:s6], s20  }
0x9f: {  	_ =	swait.ge [sflag:s22], s20  }
0xa0: {  	s5 =	ssub.s32 $0x0, s20;
	[sflag:s22] =	ssyncset.done $0x0  }
0xa1: {  	[sflag:s22] =	ssyncadd.s32 s5;
	_ =	sdelay $0x1  }
0xa2: {  	s23 =	simm.s32 $0x1B8B  }
0xa3: {  	_ =	swait.ge [sflag:s23], $0x1  }
0xa4: {  	[sflag:s23] =	ssyncset.done $0x0  }
0xa5: {  	s25 =	simm.s32 $0x1B8E;
	s24 =	sld [smem:$0x3FFE];
	[sflag:s23] =	ssyncadd.s32 $0xFFFFFFFF  }
0xa6: {  	s26 =	simm.s32 $execute0_lowered;
	[smem:$0x3FD2] =	sst s25  }
0xa7: {  	s6 =	sshll.u32 s26, $0x1;
	_ =	strace $0x80000046;
	[dreg:$0x1] =	wrdreg $0xFFFFFFFF  }
0xa8: {  	s28 =	simm.s32 $_size_execute0_lowered;
	s4 =	sadd.s32 s4, s6;
	[dreg:$0x0] =	wrdreg $0x0  }
0xa9: {  	s6 =	sshll.u32 s28, $0x1;
	[dreg:$0x2] =	wrdreg s4  }
0xaa: {  	[dreg:$0x3] =	wrdreg s6  }
0xab: {  	[dreg:$0x4] =	wrdreg $0xC0  }
0xac: {  	_ =	task [dreg:s8], $0x5FFFF  }
0xad: {  	[dreg:$0x1] =	wrdreg $0xFFFFFFFF  }
0xae: {  	[dreg:$0x0] =	wrdreg $0x60  }
0xaf: {  	[dreg:$0x2] =	wrdreg s24  }
0xb0: {  	[dreg:$0x3] =	wrdreg s18  }
0xb1: {  	[dreg:$0x4] =	wrdreg s2  }
0xb2: {  	[dreg:$0x5] =	wrdreg $0x9  }
0xb3: {  	_ =	task.clear_ibuf [dreg:s8], $0x6FFFF;
	_ =	strace $0x90000046  }
0xb4: {  	s29 =	simm.s32 $0x9;
	_ =	strace $0x80000048  }
0xb5: {  	_ =	swait.ge [sflag:s29], $0x1  }
0xb6: {  	[sflag:s29] =	ssyncadd.s32 $0xFFFFFFFF  }
0xb7: {  	_ =	strace $0x90000048  }
0xb8: {  	_ =	sfence  }
0xb9: {  	s30 =	sld [smem:$0x0];
	_ =	sdelay $0x2  }
0xba: {  	s31 =	sshll.u32 s1, $0xD;
	s1 =	sshrl.u32 s1, $0x2  }
0xbb: {  	s3 =	sand.u32 $0x4000, s31;
	s1 =	sadd.s32 s1, s30  }
0xbc: {  	s0 =	sor.u32 s3, s0;
	s1 =	sshll.u32 s1, $0x11  }
0xbd: {  	s0 =	sor.u32 s1, s0  }
0xbe: {  	s0 =	sadd.s32 $0x8F2B, s0  }
0xbf: {  	[sflag:s0] =	ssyncadd.remote.s32 $0x1  }
0xc0: {  	_ =	sfence.sel $0xFFFF  }
0xc1: {  	[dreg:$0x0] =	wrdreg $0xFFFFFFFF;
	(pc) =	sbr.abs _section_cstart, $3  }
0xc2: {  	[dreg:$0x1] =	wrdreg $0xFFFFFFFF  }
0xc3: {  	_ =	task.clear_ibuf [dreg:s8], $0x2FFFF;
	_ =	strace $0x9FFFFFFF  }
0xc4: {  	(tm) =	ssettm $0x7FFFFFFF  }
0xc5: {  	_ =	shalt  }
tec
execute0_lowered:
.L_overlay_start_1:
0x0: {  	(tag) =	ssettag $0x1  }
0x1: {  	s12 =	rddreg [dreg:$0x0]  }
0x2: {  	s2 =	rddreg [dreg:$0x1]  }
0x3: {  	s4 =	rddreg [dreg:$0x2];
	s3 =	srdreg.scid  }
0x4: {  	s0 =	rddreg [dreg:$0x3];
	s1 =	stileid.u32;
	s15 =	sand.u32 $0x1, s3  }
0x5: {  	s3 =	simm.s32 $0x0;
	s5 =	sshll.u32 s1, $0xB;
	s6 =	sshll.u32 s15, $0xA  }
0x6: {  	[smem:$0x7FF] =	sst s3;
	s13 =	sor.u32 s6, s5  }
0x7: {  	_ =	strace $0x80000047;
	s5 =	sadd.s32 s4, s13;
	s4 =	simm.s32 $0x4  }
0x8: {  	[tilespmem:s3], [sflag:$0x4] =	stream.linear.gather [hbm4b:s5+s3], $0x2000, $0x38;
	[tilespmem:$0x8000] =	vst v63  }
0x9: {  	_ =	swait.ge [sflag:s4], $0x2000  }
0xa: {  	[sflag:s4] =	ssyncset.done $0x0  }
0xb: {  	s7 =	simm.s32 $0x2000;
	s6 =	sadd.s32 $0x43200, s12;
	[sflag:s4] =	ssyncadd.s32 $0xFFFFE000  }
0xc: {  	[tilespmem:s7], [sflag:$0x1] =	stream.indirect.gather [hbm4b:s6+s7], $0x1, s3, s7, $0xb8;
	[tilespmem:$0x8000] =	vst v63  }
0xd: {  	s9 =	simm.s32 $0x4000;
	s8 =	sadd.s32 $0x3200, s12  }
0xe: {  	[tilespmem:s9], [sflag:$0x2] =	stream.indirect.gather [hbm4b:s8+s7], $0x1, s3, s7, $0xb8;
	[tilespmem:$0x8000] =	vst v63  }
0xf: {  	s10 =	simm.s32 $0x6000;
	s11 =	simm.s32 $0x1  }
0x10: {  	[tilespmem:s10], [sflag:$0x3] =	stream.indirect.gather [hbm4b:s2+s7], $0x1, s3, s7, $0xb8;
	[tilespmem:$0x8000] =	vst v63  }
0x11: {  	_ =	swait.ge [sflag:s11], $0x2000  }
0x12: {  	s16 =	sadd.s32 s13, s12;
	[sflag:s11] =	ssyncset.done $0x0  }
0x13: {  	s12 =	sadd.s32 $0x83200, s16;
	[sflag:s11] =	ssyncadd.s32 $0xFFFFE000  }
0x14: {  	[hbm4b:s12+s3] =	stream.linear.scatter [tilespmem:s7], [sflag:$0x4], $0x2000, $0x38;
	[tilespmem:$0x8000] =	vst v63  }
0x15: {  	_ =	swait.ge [sflag:s4], $0x2000  }
0x16: {  	[sflag:s4] =	ssyncset.done $0x0  }
0x17: {  	s13 =	simm.s32 $0x2;
	[sflag:s4] =	ssyncadd.s32 $0xFFFFE000  }
0x18: {  	_ =	swait.ge [sflag:s13], $0x2000  }
0x19: {  	[sflag:s13] =	ssyncset.done $0x0  }
0x1a: {  	s17 =	ssub.s32 $0x2, s15;
	s14 =	sadd.s32 $0x8B200, s16;
	[sflag:s13] =	ssyncadd.s32 $0xFFFFE000  }
0x1b: {  	[hbm4b:s14+s3] =	stream.linear.scatter [tilespmem:s9], [sflag:$0x4], $0x2000, $0x38;
	[tilespmem:$0x8000] =	vst v63  }
0x1c: {  	s18 =	sshrl.u32 s17, $0x1;
	_ =	swait.ge [sflag:s4], $0x2000  }
0x1d: {  	s17 =	ssub.s32 s17, s18;
	[sflag:s4] =	ssyncset.done $0x0  }
0x1e: {  	s15 =	simm.s32 $0x3;
	s17 =	smax.u32 s17, $0x1;
	[sflag:s4] =	ssyncadd.s32 $0xFFFFE000  }
0x1f: {  	p0 =	sne.s32 s17, $0x1;
	_ =	swait.ge [sflag:s15], $0x2000  }
.Ltmp0:
0x20: {  	[sflag:s15] =	ssyncset.done $0x0;
	(pc) =	sbr.rel @!p0 .LBB2_2-.Ltmp0, $4  }
0x21: {  	s16 =	sadd.s32 $0x93200, s16;
	[sflag:s15] =	ssyncadd.s32 $0xFFFFE000  }
0x22: {  	[hbm4b:s16+s3] =	stream.linear.scatter [tilespmem:s10], [sflag:$0x4], $0x2000, $0x38;
	[tilespmem:$0x8000] =	vst v63  }
0x23: {  	_ =	swait.ge [sflag:s4], $0x2000  }
0x24: {  	s17 =	sadd.s32 $0xFFFFFFFF, s17;
	[sflag:s4] =	ssyncset.done $0x0  }
.LBB2_1:
0x25: {  	p0 =	sne.s32 s17, $0x1;
	s17 =	sadd.s32 $0xFFFFFFFF, s17;
	[sflag:s4] =	ssyncadd.s32 $0xFFFFE000  }
0x26: {  	[tilespmem:s3], [sflag:$0x4] =	stream.linear.gather [hbm4b:s5+s3], $0x2000, $0x38;
	[tilespmem:$0x8000] =	vst v63  }
0x27: {  	_ =	swait.ge [sflag:s4], $0x2000  }
0x28: {  	[sflag:s4] =	ssyncset.done $0x0  }
0x29: {  	[sflag:s4] =	ssyncadd.s32 $0xFFFFE000  }
0x2a: {  	[tilespmem:s7], [sflag:$0x1] =	stream.indirect.gather [hbm4b:s6+s7], $0x1, s3, s7, $0xb8;
	[tilespmem:$0x8000] =	vst v63  }
0x2b: {  	_ = 	snop  }
0x2c: {  	[tilespmem:s9], [sflag:$0x2] =	stream.indirect.gather [hbm4b:s8+s7], $0x1, s3, s7, $0xb8;
	[tilespmem:$0x8000] =	vst v63  }
0x2d: {  	_ = 	snop  }
0x2e: {  	[tilespmem:s10], [sflag:$0x3] =	stream.indirect.gather [hbm4b:s2+s7], $0x1, s3, s7, $0xb8;
	[tilespmem:$0x8000] =	vst v63  }
0x2f: {  	_ =	swait.ge [sflag:s11], $0x2000  }
0x30: {  	[sflag:s11] =	ssyncset.done $0x0  }
0x31: {  	[sflag:s11] =	ssyncadd.s32 $0xFFFFE000  }
0x32: {  	[hbm4b:s12+s3] =	stream.linear.scatter [tilespmem:s7], [sflag:$0x4], $0x2000, $0x38;
	[tilespmem:$0x8000] =	vst v63  }
0x33: {  	_ =	swait.ge [sflag:s4], $0x2000  }
0x34: {  	[sflag:s4] =	ssyncset.done $0x0  }
0x35: {  	[sflag:s4] =	ssyncadd.s32 $0xFFFFE000  }
0x36: {  	_ =	swait.ge [sflag:s13], $0x2000  }
0x37: {  	[sflag:s13] =	ssyncset.done $0x0  }
0x38: {  	[sflag:s13] =	ssyncadd.s32 $0xFFFFE000  }
0x39: {  	[hbm4b:s14+s3] =	stream.linear.scatter [tilespmem:s9], [sflag:$0x4], $0x2000, $0x38;
	[tilespmem:$0x8000] =	vst v63  }
0x3a: {  	_ =	swait.ge [sflag:s4], $0x2000  }
0x3b: {  	[sflag:s4] =	ssyncset.done $0x0  }
0x3c: {  	[sflag:s4] =	ssyncadd.s32 $0xFFFFE000  }
0x3d: {  	_ =	swait.ge [sflag:s15], $0x2000  }
.Ltmp1:
0x3e: {  	[sflag:s15] =	ssyncset.done $0x0;
	(pc) =	sbr.rel @p0 .LBB2_1-.Ltmp1, $4  }
0x3f: {  	[sflag:s15] =	ssyncadd.s32 $0xFFFFE000  }
0x40: {  	[hbm4b:s16+s3] =	stream.linear.scatter [tilespmem:s10], [sflag:$0x4], $0x2000, $0x38;
	[tilespmem:$0x8000] =	vst v63  }
0x41: {  	_ =	swait.ge [sflag:s4], $0x2000  }
0x42: {  	[sflag:s4] =	ssyncset.done $0x0  }
.LBB2_2:
0x43: {  	[sflag:s4] =	ssyncadd.s32 $0xFFFFE000  }
0x44: {  	_ =	sfence.sel $0x180000  }
0x45: {  	[bflag:$0x0] =	sbarrier.arrive $0xFFFF  }
0x46: {  	p0 =	sne.s32 s1, $0x0;
	_ =	strace $0x90000047  }
0x47: {  	s0 =	sadd.s32 @!p0 $0x100000, s0;
	[bflag:$0x2] =	sbarrier.arrive $0xFFFF  }
0x48: {  	[sflag:s0] =	ssyncadd.tile.s32 @!p0 $0x1;
	_ =	shalt  }
.Lfunc_end2:
_tile_overlayer_lowered:
.L_overlay_start_2:
0x49: {  	(tag) =	ssettag $0x2  }
0x4a: {  	s0 =	rddreg [dreg:$0x0];
	s2 =	stileid.u32  }
0x4b: {  	s1 =	rddreg [dreg:$0x1];
	p0 =	sne.s32 s2, $0x0  }
0x4c: {  	s3 =	rddreg [dreg:$0x2];
	[bflag:$0x3] =	sbarrier.arrive $0xFFFF;
	s2 =	simm.s32 @!p0 $0x1C04  }
0x4d: {  	[timem:s3], [sflag:s2] =	dma.local @!p0 [hbm:s0], s1  }
0x4e: {  	s0 =	simm.s32 @!p0 $0x4  }
0x4f: {  	_ =	swait.ge @!p0 [sflag:s0], s1  }
0x50: {  	s1 =	ssub.s32 @!p0 $0x0, s1;
	[sflag:s0] =	ssyncset.done @!p0 $0x0  }
0x51: {  	[sflag:s0] =	ssyncadd.s32 @!p0 s1  }
0x52: {  	[bflag:$0x3] =	sbarrier.arrive $0xFFFF  }
0x53: {  	_ =	shalt  }

// kernel: kernel.9.cloned.1.call-start
scs
__scs_entry_jumppad:
0x0: {  	(pc) =	sbr.rel $0x88, $3  }
0x1: {  	(tag) =	ssettag $0x0;
	lr =	simm.s32 $0x1  }
0x2: {  	[smem:$0x3F9E] =	sst lr;
	_ =	strace $0xD0000000  }
0x3: {  	_ = 	snop  }
0x4: {  	_ = 	snop  }
0x5: {  	_ = 	snop  }
0x6: {  	_ = 	snop  }
0x7: {  	_ = 	snop  }
__scs_overlays_trampoline_lowered:
0x8: {  	[smem:$0x3FAD] =	sst s0  }
0x9: {  	[smem:$0x3FAE] =	sst s1  }
0xa: {  	[smem:$0x3FAF] =	sst s2  }
0xb: {  	[smem:$0x3FB0] =	sst s3  }
0xc: {  	[smem:$0x3FB1] =	sst s4  }
0xd: {  	[smem:$0x3FB2] =	sst s5  }
0xe: {  	[smem:$0x3FB3] =	sst s6  }
0xf: {  	[smem:$0x3FB4] =	sst s7  }
0x10: {  	[smem:$0x3FB5] =	sst s8  }
0x11: {  	[smem:$0x3FB6] =	sst s9;
	s0 =	simm.s32 @!p0 $0x0  }
0x12: {  	s1 =	sld [smem:$0x3F9C];
	s0 =	simm.s32 @p0 $0x1  }
0x13: {  	[smem:$0x3FB7] =	sst s0;
	s0 =	simm.s32 @!p1 $0x0  }
0x14: {  	s2 =	sld [smem:$0x3F9B];
	s0 =	simm.s32 @p1 $0x1  }
0x15: {  	[smem:$0x3FB8] =	sst s0;
	s0 =	simm.s32 @!p2 $0x0  }
0x16: {  	s3 =	sld [smem:$0x3FDB];
	s0 =	simm.s32 @p2 $0x1  }
0x17: {  	s4 =	simm.s32 $0x1BF5;
	[smem:$0x3FBA] =	sst s0  }
0x18: {  	s0 =	sld [smem:$0x3F9D];
	_ =	swait.ge [sflag:s4], $0x0  }
0x19: {  	s7 =	sld [smem:$0x3F9E]  }
0x1a: {  	s8 =	sadd.s32 $0xFFFFE003, lr  }
0x1b: {  	s9 =	sadd.s32 $0xFFFFFEF7, lr;
	s5 =	simm.s32 $0xFFFFFFFF;
	p2 =	slt.u32 s8, $0xFFFFF086  }
0x1c: {  	p1 =	slt.u32 s9, $0xF7A;
	s5 =	simm.s32 @!p2 $0x0  }
0x1d: {  	s5 =	simm.s32 @p1 $0x1;
	p0 =	seq.s32 s7, s2  }
0x1e: {  	s7 =	smul.u32 @!p0 $0xF7A, s2;
	p2 =	seq.s32 @!p0 s5, $0x0  }
0x1f: {  	s9 =	smul.u32 $0xF7A, s1;
	s8 =	simm.s32 @!p0 $0x1BF5;
	p2 =	por !p2, p0  }
0x20: {  	[sflag:s8] =	ssyncset.s32 @!p0 $0xFFFFF086;
	s6 =	sadd.s32 @!p0 s3, s7;
	s7 =	simm.s32 @!p0 $0x108  }
0x21: {  	s3 =	sadd.s32 s3, s9;
	s6 =	sadd.s32 @!p0 $0x88, s6;
	s7 =	simm.s32 @p2 $0x1082  }
0x22: {  	[simem:s7], [sflag:s8] =	dma.local @!p0 [hbm:s6], $0xF7A  }
0x23: {  	s9 =	sor.u32 $0xD0000000, s2;
	s6 =	simm.s32 $0x108;
	_ =	swait.ge @!p0 [sflag:s8], $0x0  }
0x24: {  	s3 =	sadd.s32 $0x88, s3;
	s6 =	simm.s32 @!p1 $0x1082;
	[sflag:s4] =	ssyncset.s32 $0xFFFFF086  }
0x25: {  	[simem:s6], [sflag:s4] =	dma.local [hbm:s3], $0xF7A  }
0x26: {  	[smem:$0x3F9E] =	sst s1;
	(tag) =	ssettag s2;
	_ =	strace s9  }
0x27: {  	s1 =	sld [smem:$0x3FAE]  }
0x28: {  	s2 =	sld [smem:$0x3FAF]  }
0x29: {  	s4 =	sld [smem:$0x3FB1]  }
0x2a: {  	p0 =	seq.s32 s5, $0x0;
	s5 =	sld [smem:$0x3FB2]  }
0x2b: {  	s6 =	sld [smem:$0x3FB3]  }
0x2c: {  	s7 =	sld [smem:$0x3FB4]  }
0x2d: {  	s3 =	simm.s32 $0x108;
	s8 =	sld [smem:$0x3FB5]  }
0x2e: {  	s3 =	simm.s32 @!p0 $0x1082;
	s9 =	sld [smem:$0x3FB6]  }
0x2f: {  	lr =	sadd.s32 s0, s3;
	s0 =	sld [smem:$0x3FAD]  }
0x30: {  	s3 =	sld [smem:$0x3FB0]  }
0x31: {  	[smem:$0x3FB9] =	sst s10  }
0x32: {  	s10 =	sld [smem:$0x3FB7];
	_ =	sdelay $0x3  }
0x33: {  	p0 =	seq.s32 s10, $0x1;
	s10 =	sld [smem:$0x3FB9];
	_ =	sdelay $0x3  }
0x34: {  	[smem:$0x3FB9] =	sst s10  }
0x35: {  	s10 =	sld [smem:$0x3FB8];
	_ =	sdelay $0x3  }
0x36: {  	p1 =	seq.s32 s10, $0x1;
	s10 =	sld [smem:$0x3FB9];
	_ =	sdelay $0x3  }
0x37: {  	[smem:$0x3FB9] =	sst s10  }
0x38: {  	s10 =	sld [smem:$0x3FBA]  }
0x39: {  	_ = 	snop;
	(pc) =	sbr.ind lr, $3  }
0x3a: {  	_ = 	snop  }
0x3b: {  	_ = 	snop  }
0x3c: {  	p2 =	seq.s32 s10, $0x1;
	s10 =	sld [smem:$0x3FB9]  }
0x3d: {  	_ =	shalt  }
0x3e: {  	_ =	shalt  }
0x3f: {  	_ =	shalt  }
0x40: {  	_ =	shalt  }
0x41: {  	_ =	shalt  }
0x42: {  	_ =	shalt  }
0x43: {  	_ =	shalt  }
0x44: {  	_ =	shalt  }
0x45: {  	_ =	shalt  }
0x46: {  	_ =	shalt  }
0x47: {  	_ =	shalt  }
0x48: {  	_ =	shalt  }
0x49: {  	_ =	shalt  }
0x4a: {  	_ =	shalt  }
0x4b: {  	_ =	shalt  }
0x4c: {  	_ =	shalt  }
0x4d: {  	_ =	shalt  }
0x4e: {  	_ =	shalt  }
0x4f: {  	_ =	shalt  }
0x50: {  	_ =	shalt  }
0x51: {  	_ =	shalt  }
0x52: {  	_ =	shalt  }
0x53: {  	_ =	shalt  }
0x54: {  	_ =	shalt  }
0x55: {  	_ =	shalt  }
0x56: {  	_ =	shalt  }
0x57: {  	_ =	shalt  }
0x58: {  	_ =	shalt  }
0x59: {  	_ =	shalt  }
0x5a: {  	_ =	shalt  }
0x5b: {  	_ =	shalt  }
0x5c: {  	_ =	shalt  }
0x5d: {  	_ =	shalt  }
0x5e: {  	_ =	shalt  }
0x5f: {  	_ =	shalt  }
0x60: {  	_ =	shalt  }
0x61: {  	_ =	shalt  }
0x62: {  	_ =	shalt  }
0x63: {  	_ =	shalt  }
0x64: {  	_ =	shalt  }
0x65: {  	_ =	shalt  }
0x66: {  	_ =	shalt  }
0x67: {  	_ =	shalt  }
0x68: {  	_ =	shalt  }
0x69: {  	_ =	shalt  }
0x6a: {  	_ =	shalt  }
0x6b: {  	_ =	shalt  }
0x6c: {  	_ =	shalt  }
0x6d: {  	_ =	shalt  }
0x6e: {  	_ =	shalt  }
0x6f: {  	_ =	shalt  }
0x70: {  	_ =	shalt  }
0x71: {  	_ =	shalt  }
0x72: {  	_ =	shalt  }
0x73: {  	_ =	shalt  }
0x74: {  	_ =	shalt  }
0x75: {  	_ =	shalt  }
0x76: {  	_ =	shalt  }
0x77: {  	_ =	shalt  }
0x78: {  	_ =	shalt  }
0x79: {  	_ =	shalt  }
0x7a: {  	_ =	shalt  }
0x7b: {  	_ =	shalt  }
0x7c: {  	_ =	shalt  }
0x7d: {  	_ =	shalt  }
0x7e: {  	_ =	shalt  }
0x7f: {  	_ =	shalt  }
0x80: {  	_ =	shalt  }
0x81: {  	_ =	shalt  }
0x82: {  	_ =	shalt  }
0x83: {  	_ =	shalt  }
0x84: {  	_ =	shalt  }
0x85: {  	_ =	shalt  }
0x86: {  	_ =	shalt  }
0x87: {  	_ =	shalt  }
.Lfunc_end0:
.L_simem_size_0:
called_computation.1_lowered:
.L_overlay_start_0:
0x88: {  	s2 =	sld [smem:$0x3FD9]  }
0x89: {  	s3 =	sld [smem:$0x3FFE];
	_ =	sdelay $0x1  }
0x8a: {  	s1 =	srdreg.scid  }
0x8b: {  	s0 =	sand.u32 $0x1, s1  }
0x8c: {  	s17 =	sshll.u32 s0, $0xA;
	s2 =	sadd.s32 s3, s2  }
0x8d: {  	s2 =	sadd.s32 s2, s17  }
0x8e: {  	[smem:$0x3FC5] =	sst s2  }
0x8f: {  	_ = 	snop  }
0x90: {  	s18 =	sld [smem:$0x3FC7];
	(tm) =	ssettm $0x1  }
0x91: {  	s19 =	sld [smem:$0x3FFB];
	_ =	sdelay $0x3  }
0x92: {  	_ =	strace s19  }
0x93: {  	s2 =	sld [smem:$0x3FFC];
	_ =	sdelay $0x3  }
0x94: {  	_ =	strace s2  }
0x95: {  	s2 =	sld [smem:$0x3FFD];
	_ =	sdelay $0x3  }
0x96: {  	_ =	strace s2  }
0x97: {  	_ =	strace $0x8FFFFFFF  }
0x98: {  	s20 =	sld [smem:$0x3FDB];
	_ =	sdelay $0x1  }
0x99: {  	s4 =	simm.s32 $_scs_section_size  }
0x9a: {  	s5 =	simm.s32 $_size__tile_overlayer_lowered;
	s6 =	simm.s32 $_tile_overlayer_lowered  }
0x9b: {  	s7 =	simm.s32 $0x1BFF;
	s21 =	sshll.u32 s6, $0x1;
	s4 =	sadd.s32 s4, s20  }
0x9c: {  	s22 =	simm.s32 $0x0;
	s5 =	sshll.u32 s5, $0x1;
	s6 =	sadd.s32 s21, s4  }
0x9d: {  	[timem:s22], [sflag:s7] =	dma.local [hbm:s6], s5  }
0x9e: {  	_ =	swait.ge [sflag:s7], s5  }
0x9f: {  	s5 =	ssub.s32 $0x0, s5;
	[sflag:s7] =	ssyncset.done $0x0  }
0xa0: {  	[sflag:s7] =	ssyncadd.s32 s5;
	_ =	sdelay $0x1  }
0xa1: {  	s23 =	simm.s32 $0x1B8B  }
0xa2: {  	_ =	swait.ge [sflag:s23], $0x1  }
0xa3: {  	[sflag:s23] =	ssyncset.done $0x0  }
0xa4: {  	[sflag:s23] =	ssyncadd.s32 $0xFFFFFFFF  }
0xa5: {  	s5 =	sld [smem:$0x0]  }
0xa6: {  	s6 =	sand.u32 $0xFFFFFFFE, s1  }
0xa7: {  	p0 =	sne.s32 s1, s6  }
0xa8: {  	s6 =	sshll.u32 @p0 s6, $0xE  }
0xa9: {  	s6 =	sadd.s32 @p0 $0x11B8D, s6;
	s7 =	sshll.u32 @p0 s5, $0x11  }
0xaa: {  	s6 =	sor.u32 @p0 s7, s6  }
0xab: {  	[sflag:s6] =	ssyncadd.remote.s32 @p0 $0x1;
	_ =	sdelay $0x1  }
0xac: {  	s6 =	simm.s32 @p0 $0x1B8D  }
0xad: {  	_ =	swait.eq @p0 [sflag:s6], $0x1  }
0xae: {  	[sflag:s6] =	ssyncadd.s32 @p0 $0xFFFFFFFF  }
0xaf: {  	s7 =	sshll.u32 @!p0 s1, $0xE  }
0xb0: {  	s7 =	sor.u32 @!p0 $0x4000, s7;
	s6 =	simm.s32 @!p0 $0x1B8D  }
0xb1: {  	s5 =	sshll.u32 @!p0 s5, $0x11;
	s7 =	sadd.s32 @!p0 $0x11B8D, s7;
	_ =	swait.eq @!p0 [sflag:s6], $0x1  }
0xb2: {  	s5 =	sor.u32 @!p0 s5, s7;
	[sflag:s6] =	ssyncadd.s32 @!p0 $0xFFFFFFFF  }
0xb3: {  	s25 =	simm.s32 $0x1B8E;
	s24 =	sld [smem:$0x3FFE];
	[sflag:s5] =	ssyncadd.remote.s32 @!p0 $0x1  }
0xb4: {  	s26 =	simm.s32 $execute0_lowered;
	[smem:$0x3FD2] =	sst s25  }
0xb5: {  	s6 =	sshll.u32 s26, $0x1;
	_ =	strace $0x80000049;
	[dreg:$0x1] =	wrdreg $0xFFFFFFFF  }
0xb6: {  	s28 =	simm.s32 $_size_execute0_lowered;
	s4 =	sadd.s32 s4, s6;
	[dreg:$0x0] =	wrdreg $0x0  }
0xb7: {  	s6 =	sshll.u32 s28, $0x1;
	[dreg:$0x2] =	wrdreg s4  }
0xb8: {  	[dreg:$0x3] =	wrdreg s6  }
0xb9: {  	[dreg:$0x4] =	wrdreg $0xC0  }
0xba: {  	_ =	task [dreg:s22], $0x5FFFF  }
0xbb: {  	[dreg:$0x1] =	wrdreg $0xFFFFFFFF  }
0xbc: {  	[dreg:$0x0] =	wrdreg $0x60  }
0xbd: {  	[dreg:$0x2] =	wrdreg s24  }
0xbe: {  	[dreg:$0x3] =	wrdreg s18  }
0xbf: {  	[dreg:$0x4] =	wrdreg $0xA  }
0xc0: {  	_ =	task.clear_ibuf [dreg:s22], $0x5FFFF;
	_ =	strace $0x90000049  }
0xc1: {  	s29 =	simm.s32 $0xA;
	_ =	strace $0x8000004B  }
0xc2: {  	_ =	swait.ge [sflag:s29], $0x1  }
0xc3: {  	[sflag:s29] =	ssyncadd.s32 $0xFFFFFFFF  }
0xc4: {  	_ =	strace $0x9000004B  }
0xc5: {  	_ =	sfence  }
0xc6: {  	s30 =	sld [smem:$0x0];
	_ =	sdelay $0x2  }
0xc7: {  	s31 =	sshll.u32 s1, $0xD;
	s1 =	sshrl.u32 s1, $0x2  }
0xc8: {  	s4 =	sand.u32 $0x4000, s31;
	s1 =	sadd.s32 s1, s30  }
0xc9: {  	s0 =	sor.u32 s4, s0;
	s1 =	sshll.u32 s1, $0x11  }
0xca: {  	s0 =	sor.u32 s1, s0  }
0xcb: {  	s0 =	sadd.s32 $0x8F2B, s0  }
0xcc: {  	[sflag:s0] =	ssyncadd.remote.s32 $0x1  }
0xcd: {  	_ =	sfence.sel $0xFFFF  }
0xce: {  	[dreg:$0x0] =	wrdreg $0xFFFFFFFF;
	(pc) =	sbr.abs _section_cstart, $3  }
0xcf: {  	[dreg:$0x1] =	wrdreg $0xFFFFFFFF  }
0xd0: {  	_ =	task.clear_ibuf [dreg:s22], $0x2FFFF;
	_ =	strace $0x9FFFFFFF  }
0xd1: {  	(tm) =	ssettm $0x7FFFFFFF  }
tec
execute0_lowered:
.L_overlay_start_1:
0x0: {  	(tag) =	ssettag $0x1  }
0x1: {  	s14 =	rddreg [dreg:$0x0]  }
0x2: {  	s3 =	rddreg [dreg:$0x1];
	s2 =	srdreg.scid  }
0x3: {  	s0 =	rddreg [dreg:$0x2];
	s1 =	stileid.u32;
	s19 =	sand.u32 $0x1, s2  }
0x4: {  	s2 =	simm.s32 $0x0;
	s4 =	sshll.u32 s1, $0xB;
	s5 =	sshll.u32 s19, $0xA  }
0x5: {  	[smem:$0x7FF] =	sst s2;
	s15 =	sor.u32 s5, s4  }
0x6: {  	_ =	strace $0x8000004A;
	s4 =	sadd.s32 s3, s15;
	s3 =	simm.s32 $0x5  }
0x7: {  	[tilespmem:s2], [sflag:$0x5] =	stream.linear.gather [hbm4b:s4+s2], $0x2000, $0x38;
	[tilespmem:$0xA000] =	vst v63  }
0x8: {  	_ =	swait.ge [sflag:s3], $0x2000  }
0x9: {  	[sflag:s3] =	ssyncset.done $0x0  }
0xa: {  	s6 =	simm.s32 $0x2000;
	s5 =	sadd.s32 $0x15B200, s14;
	[sflag:s3] =	ssyncadd.s32 $0xFFFFE000  }
0xb: {  	[tilespmem:s6], [sflag:$0x1] =	stream.indirect.gather [hbm4b:s5+s6], $0x1, s2, s6, $0xb8;
	[tilespmem:$0xA000] =	vst v63  }
0xc: {  	s8 =	simm.s32 $0x4000;
	s7 =	sadd.s32 $0x11B200, s14  }
0xd: {  	[tilespmem:s8], [sflag:$0x2] =	stream.indirect.gather [hbm4b:s7+s6], $0x1, s2, s6, $0xb8;
	[tilespmem:$0xA000] =	vst v63  }
0xe: {  	s10 =	simm.s32 $0x6000;
	s9 =	sadd.s32 $0xDB200, s14  }
0xf: {  	[tilespmem:s10], [sflag:$0x3] =	stream.indirect.gather [hbm4b:s9+s6], $0x1, s2, s6, $0xb8;
	[tilespmem:$0xA000] =	vst v63  }
0x10: {  	s12 =	simm.s32 $0x8000;
	s13 =	simm.s32 $0x1;
	s11 =	sadd.s32 $0x9B200, s14  }
0x11: {  	[tilespmem:s12], [sflag:$0x4] =	stream.indirect.gather [hbm4b:s11+s6], $0x1, s2, s6, $0xb8;
	[tilespmem:$0xA000] =	vst v63  }
0x12: {  	_ =	swait.ge [sflag:s13], $0x2000  }
0x13: {  	s20 =	sadd.s32 s15, s14;
	[sflag:s13] =	ssyncset.done $0x0  }
0x14: {  	s14 =	sadd.s32 $0x19B200, s20;
	[sflag:s13] =	ssyncadd.s32 $0xFFFFE000  }
0x15: {  	[hbm4b:s14+s2] =	stream.linear.scatter [tilespmem:s6], [sflag:$0x5], $0x2000, $0x38;
	[tilespmem:$0xA000] =	vst v63  }
0x16: {  	_ =	swait.ge [sflag:s3], $0x2000  }
0x17: {  	[sflag:s3] =	ssyncset.done $0x0  }
0x18: {  	s15 =	simm.s32 $0x2;
	[sflag:s3] =	ssyncadd.s32 $0xFFFFE000  }
0x19: {  	_ =	swait.ge [sflag:s15], $0x2000  }
0x1a: {  	[sflag:s15] =	ssyncset.done $0x0  }
0x1b: {  	s16 =	sadd.s32 $0x1A3200, s20;
	[sflag:s15] =	ssyncadd.s32 $0xFFFFE000  }
0x1c: {  	[hbm4b:s16+s2] =	stream.linear.scatter [tilespmem:s8], [sflag:$0x5], $0x2000, $0x38;
	[tilespmem:$0xA000] =	vst v63  }
0x1d: {  	_ =	swait.ge [sflag:s3], $0x2000  }
0x1e: {  	[sflag:s3] =	ssyncset.done $0x0  }
0x1f: {  	s17 =	simm.s32 $0x3;
	[sflag:s3] =	ssyncadd.s32 $0xFFFFE000  }
0x20: {  	_ =	swait.ge [sflag:s17], $0x2000  }
0x21: {  	[sflag:s17] =	ssyncset.done $0x0  }
0x22: {  	s21 =	ssub.s32 $0x2, s19;
	s18 =	sadd.s32 $0x1AB200, s20;
	[sflag:s17] =	ssyncadd.s32 $0xFFFFE000  }
0x23: {  	[hbm4b:s18+s2] =	stream.linear.scatter [tilespmem:s10], [sflag:$0x5], $0x2000, $0x38;
	[tilespmem:$0xA000] =	vst v63  }
0x24: {  	s22 =	sshrl.u32 s21, $0x1;
	_ =	swait.ge [sflag:s3], $0x2000  }
0x25: {  	s21 =	ssub.s32 s21, s22;
	[sflag:s3] =	ssyncset.done $0x0  }
0x26: {  	s19 =	simm.s32 $0x4;
	s21 =	smax.u32 s21, $0x1;
	[sflag:s3] =	ssyncadd.s32 $0xFFFFE000  }
0x27: {  	p0 =	sne.s32 s21, $0x1;
	_ =	swait.ge [sflag:s19], $0x2000  }
.Ltmp0:
0x28: {  	[sflag:s19] =	ssyncset.done $0x0;
	(pc) =	sbr.rel @!p0 .LBB2_2-.Ltmp0, $4  }
0x29: {  	s20 =	sadd.s32 $0x1B3200, s20;
	[sflag:s19] =	ssyncadd.s32 $0xFFFFE000  }
0x2a: {  	[hbm4b:s20+s2] =	stream.linear.scatter [tilespmem:s12], [sflag:$0x5], $0x2000, $0x38;
	[tilespmem:$0xA000] =	vst v63  }
0x2b: {  	_ =	swait.ge [sflag:s3], $0x2000  }
0x2c: {  	s21 =	sadd.s32 $0xFFFFFFFF, s21;
	[sflag:s3] =	ssyncset.done $0x0  }
.LBB2_1:
0x2d: {  	p0 =	sne.s32 s21, $0x1;
	s21 =	sadd.s32 $0xFFFFFFFF, s21;
	[sflag:s3] =	ssyncadd.s32 $0xFFFFE000  }
0x2e: {  	[tilespmem:s2], [sflag:$0x5] =	stream.linear.gather [hbm4b:s4+s2], $0x2000, $0x38;
	[tilespmem:$0xA000] =	vst v63  }
0x2f: {  	_ =	swait.ge [sflag:s3], $0x2000  }
0x30: {  	[sflag:s3] =	ssyncset.done $0x0  }
0x31: {  	[sflag:s3] =	ssyncadd.s32 $0xFFFFE000  }
0x32: {  	[tilespmem:s6], [sflag:$0x1] =	stream.indirect.gather [hbm4b:s5+s6], $0x1, s2, s6, $0xb8;
	[tilespmem:$0xA000] =	vst v63  }
0x33: {  	_ = 	snop  }
0x34: {  	[tilespmem:s8], [sflag:$0x2] =	stream.indirect.gather [hbm4b:s7+s6], $0x1, s2, s6, $0xb8;
	[tilespmem:$0xA000] =	vst v63  }
0x35: {  	_ = 	snop  }
0x36: {  	[tilespmem:s10], [sflag:$0x3] =	stream.indirect.gather [hbm4b:s9+s6], $0x1, s2, s6, $0xb8;
	[tilespmem:$0xA000] =	vst v63  }
0x37: {  	_ = 	snop  }
0x38: {  	[tilespmem:s12], [sflag:$0x4] =	stream.indirect.gather [hbm4b:s11+s6], $0x1, s2, s6, $0xb8;
	[tilespmem:$0xA000] =	vst v63  }
0x39: {  	_ =	swait.ge [sflag:s13], $0x2000  }
0x3a: {  	[sflag:s13] =	ssyncset.done $0x0  }
0x3b: {  	[sflag:s13] =	ssyncadd.s32 $0xFFFFE000  }
0x3c: {  	[hbm4b:s14+s2] =	stream.linear.scatter [tilespmem:s6], [sflag:$0x5], $0x2000, $0x38;
	[tilespmem:$0xA000] =	vst v63  }
0x3d: {  	_ =	swait.ge [sflag:s3], $0x2000  }
0x3e: {  	[sflag:s3] =	ssyncset.done $0x0  }
0x3f: {  	[sflag:s3] =	ssyncadd.s32 $0xFFFFE000  }
0x40: {  	_ =	swait.ge [sflag:s15], $0x2000  }
0x41: {  	[sflag:s15] =	ssyncset.done $0x0  }
0x42: {  	[sflag:s15] =	ssyncadd.s32 $0xFFFFE000  }
0x43: {  	[hbm4b:s16+s2] =	stream.linear.scatter [tilespmem:s8], [sflag:$0x5], $0x2000, $0x38;
	[tilespmem:$0xA000] =	vst v63  }
0x44: {  	_ =	swait.ge [sflag:s3], $0x2000  }
0x45: {  	[sflag:s3] =	ssyncset.done $0x0  }
0x46: {  	[sflag:s3] =	ssyncadd.s32 $0xFFFFE000  }
0x47: {  	_ =	swait.ge [sflag:s17], $0x2000  }
0x48: {  	[sflag:s17] =	ssyncset.done $0x0  }
0x49: {  	[sflag:s17] =	ssyncadd.s32 $0xFFFFE000  }
0x4a: {  	[hbm4b:s18+s2] =	stream.linear.scatter [tilespmem:s10], [sflag:$0x5], $0x2000, $0x38;
	[tilespmem:$0xA000] =	vst v63  }
0x4b: {  	_ =	swait.ge [sflag:s3], $0x2000  }
0x4c: {  	[sflag:s3] =	ssyncset.done $0x0  }
0x4d: {  	[sflag:s3] =	ssyncadd.s32 $0xFFFFE000  }
0x4e: {  	_ =	swait.ge [sflag:s19], $0x2000  }
.Ltmp1:
0x4f: {  	[sflag:s19] =	ssyncset.done $0x0;
	(pc) =	sbr.rel @p0 .LBB2_1-.Ltmp1, $4  }
0x50: {  	[sflag:s19] =	ssyncadd.s32 $0xFFFFE000  }
0x51: {  	[hbm4b:s20+s2] =	stream.linear.scatter [tilespmem:s12], [sflag:$0x5], $0x2000, $0x38;
	[tilespmem:$0xA000] =	vst v63  }
0x52: {  	_ =	swait.ge [sflag:s3], $0x2000  }
0x53: {  	[sflag:s3] =	ssyncset.done $0x0  }
.LBB2_2:
0x54: {  	[sflag:s3] =	ssyncadd.s32 $0xFFFFE000  }
0x55: {  	_ =	sfence.sel $0x180000  }
0x56: {  	[bflag:$0x0] =	sbarrier.arrive $0xFFFF  }
0x57: {  	p0 =	sne.s32 s1, $0x0;
	_ =	strace $0x9000004A  }
0x58: {  	s0 =	sadd.s32 @!p0 $0x100000, s0;
	[bflag:$0x2] =	sbarrier.arrive $0xFFFF  }
0x59: {  	[sflag:s0] =	ssyncadd.tile.s32 @!p0 $0x1;
	_ =	shalt  }
.Lfunc_end2:
_tile_overlayer_lowered:
.L_overlay_start_2:
0x5a: {  	(tag) =	ssettag $0x2  }
0x5b: {  	s0 =	rddreg [dreg:$0x0];
	s2 =	stileid.u32  }
0x5c: {  	s1 =	rddreg [dreg:$0x1];
	p0 =	sne.s32 s2, $0x0  }
0x5d: {  	s3 =	rddreg [dreg:$0x2];
	[bflag:$0x3] =	sbarrier.arrive $0xFFFF;
	s2 =	simm.s32 @!p0 $0x1C05  }
0x5e: {  	[timem:s3], [sflag:s2] =	dma.local @!p0 [hbm:s0], s1  }
0x5f: {  	s0 =	simm.s32 @!p0 $0x5  }
0x60: {  	_ =	swait.ge @!p0 [sflag:s0], s1  }
0x61: {  	s1 =	ssub.s32 @!p0 $0x0, s1;
	[sflag:s0] =	ssyncset.done @!p0 $0x0  }
0x62: {  	[sflag:s0] =	ssyncadd.s32 @!p0 s1  }
0x63: {  	[bflag:$0x3] =	sbarrier.arrive $0xFFFF  }
0x64: {  	_ =	shalt  }

</sc_bundles>
